<compile_context>
chip_gen: v7x
topology: tpu7x:2x2x1
jax: 0.10.2.dev20260603
libtpu: 0.0.44.dev20260713+nightly
codegen_flags: <defaults>
</compile_context>

<pallas_src>
import functools

import jax
import jax.numpy as jnp
from jax import lax
from jax.experimental import pallas as pl
from jax.experimental.pallas import tpu as pltpu
from jax.experimental.pallas import tpu_sc as plsc

B = 4096
V = 100000
D = 64
WD = 16
DW = D + WD
PW = 128
NPOS = 10
NNEG = 20
NV = NPOS + 3 * NNEG
NVP = 72
BETA = 2.0

NC = 2
NS = 16
NW = NC * NS
BPW = B // NW
RPW = BPW * NVP
CHUNK = 128
CPB = 3
BLK = CHUNK * CPB
NBLK = RPW // BLK


def _pad_body(x_ref, o_ref):
    blk = x_ref.shape[0]
    w = x_ref.shape[1]
    o_ref[...] = jnp.concatenate(
        [x_ref[...], jnp.zeros((blk, PW - w), jnp.float32)], axis=1)


def _pad128(x, rblk=4000):
    n, w = x.shape
    grid = pl.cdiv(n, rblk)
    return pl.pallas_call(
        _pad_body,
        grid=(grid,),
        in_specs=[pl.BlockSpec((rblk, w), lambda i: (i, 0))],
        out_specs=pl.BlockSpec((rblk, PW), lambda i: (i, 0)),
        out_shape=jax.ShapeDtypeStruct((n, PW), jnp.float32),
    )(x)


def _sc_gather_v_body(rpw, nblk, v_hbm, vidx_hbm, out_v,
                      vidx_v, vbufa, vbufb, semg, semoa, semob):
    wid = lax.axis_index("s") * NC + lax.axis_index("c")
    vbase = wid * rpw
    pltpu.sync_copy(vidx_hbm.at[pl.ds(vbase, rpw)], vidx_v)

    def gather_blk(j, buf):
        rbase = j * BLK
        cps = []
        for c in range(CPB):
            idx_sl = vidx_v.at[pl.ds(rbase + c * CHUNK, CHUNK)]
            cps.append(pltpu.async_copy(
                v_hbm.at[idx_sl], buf.at[pl.ds(c * CHUNK, CHUNK)], semg))
        for cp in cps:
            cp.wait()

    def drain(buf, sem):
        pltpu.make_async_copy(out_v.at[pl.ds(vbase, BLK)], buf, sem).wait()

    def blk2(i, carry):
        @pl.when(i > 0)
        def _():
            drain(vbufa, semoa)
        gather_blk(2 * i, vbufa)

        @pl.when(i > 0)
        def _():
            drain(vbufb, semob)
        pltpu.async_copy(vbufa, out_v.at[pl.ds(vbase + 2 * i * BLK, BLK)],
                         semoa)
        gather_blk(2 * i + 1, vbufb)
        pltpu.async_copy(vbufb, out_v.at[pl.ds(vbase + (2 * i + 1) * BLK, BLK)],
                         semob)
        return carry

    lax.fori_loop(0, nblk // 2, blk2, 0)
    drain(vbufa, semoa)
    drain(vbufb, semob)


@functools.cache
def _sc_gather_v(nb):
    rpw = nb * NVP // NW
    nblk = rpw // BLK
    return pl.kernel(
        functools.partial(_sc_gather_v_body, rpw, nblk),
        out_type=jax.ShapeDtypeStruct((nb * NVP, PW), jnp.float32),
        mesh=plsc.VectorSubcoreMesh(core_axis_name="c", subcore_axis_name="s"),
        scratch_types=[
            pltpu.VMEM((rpw,), jnp.int32),
            pltpu.VMEM((BLK, PW), jnp.float32),
            pltpu.VMEM((BLK, PW), jnp.float32),
            pltpu.SemaphoreType.DMA,
            pltpu.SemaphoreType.DMA,
            pltpu.SemaphoreType.DMA,
        ],
        compiler_params=pltpu.CompilerParams(use_tc_tiling_on_sc=True),
    )


def _sc_gather_uu_body(u_hbm, user_hbm, uidx_hbm, useridx_hbm,
                       out_u, out_user, uidx_v, useridx_v, buf, semg, semo):
    wid = lax.axis_index("s") * NC + lax.axis_index("c")
    bbase = wid * BPW
    pltpu.sync_copy(uidx_hbm.at[pl.ds(bbase, BPW)], uidx_v)
    pltpu.sync_copy(useridx_hbm.at[pl.ds(bbase, BPW)], useridx_v)
    cu = pltpu.async_copy(u_hbm.at[uidx_v], buf.at[pl.ds(0, BPW)], semg)
    cuser = pltpu.async_copy(user_hbm.at[useridx_v],
                             buf.at[pl.ds(BPW, BPW)], semg)
    cu.wait()
    cuser.wait()
    ou = pltpu.async_copy(buf.at[pl.ds(0, BPW)],
                          out_u.at[pl.ds(bbase, BPW)], semo)
    ouser = pltpu.async_copy(buf.at[pl.ds(BPW, BPW)],
                             out_user.at[pl.ds(bbase, BPW)], semo)
    ou.wait()
    ouser.wait()


@functools.cache
def _sc_gather_uu():
    return pl.kernel(
        _sc_gather_uu_body,
        out_type=[
            jax.ShapeDtypeStruct((B, PW), jnp.float32),
            jax.ShapeDtypeStruct((B, PW), jnp.float32),
        ],
        mesh=plsc.VectorSubcoreMesh(core_axis_name="c", subcore_axis_name="s"),
        scratch_types=[
            pltpu.VMEM((BPW,), jnp.int32),
            pltpu.VMEM((BPW,), jnp.int32),
            pltpu.VMEM((2 * BPW, PW), jnp.float32),
            pltpu.SemaphoreType.DMA,
            pltpu.SemaphoreType.DMA,
        ],
        compiler_params=pltpu.CompilerParams(use_tc_tiling_on_sc=True),
    )


def _logsig(x):
    return jnp.minimum(x, 0.0) - jnp.log1p(jnp.exp(-jnp.abs(x)))


def _tc_score_body(v_ref, u_ref, user_ref, wd_ref, week_ref, out_ref):
    bb = v_ref.shape[0]
    u = u_ref[...]
    wk = week_ref[...]
    wd = wd_ref[...]
    wrow = jnp.where(wd == 0, wk[0:1, :], wk[1:2, :])
    wpad = jnp.concatenate(
        [jnp.zeros((bb, D), jnp.float32), wrow,
         jnp.zeros((bb, PW - DW), jnp.float32)], axis=1)
    cat = u + wpad
    user = user_ref[...]
    t = jnp.sum(cat * user, axis=-1, keepdims=True)
    rows = v_ref[...]
    col3 = lax.broadcasted_iota(jnp.int32, (bb, NVP, 1), 1)
    m = jnp.where(col3 < NPOS + NNEG, cat[:, None, :], user[:, None, :])
    s = jnp.sum(rows * m, axis=-1)
    col = lax.broadcasted_iota(jnp.int32, (bb, NVP), 1)
    a = jnp.where(col < NPOS, s,
                  jnp.where(col < NPOS + NNEG, -s, t - s))
    w = jnp.where(col < NPOS + NNEG, 1.0,
                  jnp.where(col < NV, BETA, 0.0))
    part = jnp.sum(w * _logsig(a))

    @pl.when(pl.program_id(0) == 0)
    def _():
        out_ref[...] = jnp.zeros_like(out_ref)

    out_ref[...] = out_ref[...] - part


def _tc_score(rows3d, rows_u, rows_user, wd2d, week_emb, bb=256):
    nblk = rows3d.shape[0] // bb
    return pl.pallas_call(
        _tc_score_body,
        grid=(nblk,),
        in_specs=[
            pl.BlockSpec((bb, NVP, PW), lambda i: (i, 0, 0)),
            pl.BlockSpec((bb, PW), lambda i: (i, 0)),
            pl.BlockSpec((bb, PW), lambda i: (i, 0)),
            pl.BlockSpec((bb, 1), lambda i: (i, 0)),
            pl.BlockSpec((2, WD), lambda i: (0, 0)),
        ],
        out_specs=pl.BlockSpec((1, 1), lambda i: (0, 0)),
        out_shape=jax.ShapeDtypeStruct((1, 1), jnp.float32),
    )(rows3d, rows_u, rows_user, wd2d, week_emb)


def kernel(pos_u, pos_v, neg_v, user, weekday, neg_ne, neg_nn,
           u_emb, v_emb, user_emb, week_emb):
    vidx = jnp.concatenate(
        [pos_v, neg_v, neg_ne, neg_nn, pos_v[:, :NVP - NV]], axis=1)
    vidx = vidx.reshape(-1).astype(jnp.int32)
    v128 = _pad128(v_emb)
    half = B // 2
    rows_v0 = _sc_gather_v(half)(v128, vidx[:half * NVP])
    u128 = _pad128(u_emb)
    user128 = _pad128(user_emb)
    rows_u, rows_user = _sc_gather_uu()(
        u128, user128, pos_u.astype(jnp.int32), user.astype(jnp.int32))
    rows_v1 = _sc_gather_v(half)(v128, vidx[half * NVP:])
    wd2d = weekday.reshape(B, 1).astype(jnp.int32)
    out0 = _tc_score(rows_v0.reshape(half, NVP, PW), rows_u[:half],
                     rows_user[:half], wd2d[:half], week_emb)
    out1 = _tc_score(rows_v1.reshape(half, NVP, PW), rows_u[half:],
                     rows_user[half:], wd2d[half:], week_emb)
    return out0[0, 0] + out1[0, 0]

# --- scband reference (transcript-rebuilt; emitter-appended) ---
"""Pipeline reference for scband-geo-teaser-model-43499428774056 (READ-ONLY COPY).

The authoritative reference and input builder live on the scoring server;
editing this copy changes nothing except your own understanding.
"""

import jax, jax.numpy as jnp
import numpy as np

B = 4096
V = 100000
U = 100000
D = 64
WD = 16
BETA = 2.0


def setup_inputs(seed: int = 0) -> dict:
    key = jax.random.key(seed)
    ks = jax.random.split(key, 11)
    pos_u = jax.random.randint(ks[0], (B,), 0, V)
    pos_v = jax.random.randint(ks[1], (B, 10), 0, V)
    neg_v = jax.random.randint(ks[2], (B, 20), 0, V)
    user = jax.random.randint(ks[3], (B,), 0, U)
    weekday = jax.random.randint(ks[4], (B,), 0, 2)
    neg_ne = jax.random.randint(ks[5], (B, 20), 0, V)
    neg_nn = jax.random.randint(ks[6], (B, 20), 0, V)
    initrange = 0.5 / D
    u_emb = jax.random.uniform(ks[7], (V + 1, D), minval=-initrange, maxval=initrange, dtype=jnp.float32)
    v_emb = jax.random.normal(ks[8], (V, D + WD), dtype=jnp.float32) * 0.01
    user_emb = jax.random.uniform(ks[9], (U, D + WD), minval=-initrange, maxval=initrange, dtype=jnp.float32)
    week_emb = jax.random.uniform(ks[10], (2, WD), minval=-initrange, maxval=initrange, dtype=jnp.float32)
    return {
        'pos_u': pos_u, 'pos_v': pos_v, 'neg_v': neg_v, 'user': user,
        'weekday': weekday, 'neg_ne': neg_ne, 'neg_nn': neg_nn,
        'u_emb': u_emb, 'v_emb': v_emb, 'user_emb': user_emb, 'week_emb': week_emb,
    }


def reference(pos_u, pos_v, neg_v, user, weekday, neg_ne, neg_nn, u_emb, v_emb, user_emb, week_emb):
    logsig = jax.nn.log_sigmoid
    embed_u = jnp.take(u_emb, pos_u, axis=0)            # (B, D)
    embed_week = jnp.take(week_emb, weekday, axis=0)    # (B, WD)
    embed_cat = jnp.concatenate([embed_u, embed_week], axis=-1)  # (B, D+WD)
    embed_v = jnp.take(v_emb, pos_v, axis=0)            # (B, 10, D+WD)
    score = jnp.sum(embed_cat[:, None, :] * embed_v, axis=-1)    # (B, 10)
    score = logsig(score)
    neg_embed_v = jnp.take(v_emb, neg_v, axis=0)        # (B, 20, D+WD)
    neg_score = jnp.einsum('bnd,bd->bn', neg_embed_v, embed_cat)  # bmm
    neg_score = logsig(-1.0 * neg_score)
    embed_user = jnp.take(user_emb, user, axis=0)       # (B, D+WD)
    neg_embed_ne = jnp.take(v_emb, neg_ne, axis=0)
    neg_embed_nn = jnp.take(v_emb, neg_nn, axis=0)
    neg_ne_score = jnp.einsum('bnd,bd->bn', embed_cat[:, None, :] - neg_embed_ne, embed_user)
    neg_ne_score = logsig(neg_ne_score)
    neg_nn_score = jnp.einsum('bnd,bd->bn', embed_cat[:, None, :] - neg_embed_nn, embed_user)
    neg_nn_score = logsig(neg_nn_score)
    return -1.0 * (jnp.sum(score) + jnp.sum(neg_score) + BETA * (jnp.sum(neg_ne_score) + jnp.sum(neg_nn_score)))

if __name__ == "__main__":
    import jax
    _d = setup_inputs()
    print(jax.jit(kernel)(*tuple(_d.values())))

</pallas_src>

<mosaic_0001>
#map = affine_map<(d0, d1) -> (0, 0)>
#map1 = affine_map<(d0, d1) -> (0)>
module attributes {stable_mosaic.version = 14 : i64} {
  func.func @_sc_gather_v_body(%arg0: i32, %arg1: i32, %arg2: memref<100000x128xf32, #tpu.memory_space<hbm>>, %arg3: memref<147456xi32, #tpu.memory_space<hbm>>, %arg4: memref<147456x128xf32, #tpu.memory_space<hbm>>, %arg5: memref<4608xi32, #tpu.memory_space<vmem>>, %arg6: memref<384x128xf32, #tpu.memory_space<vmem>>, %arg7: memref<384x128xf32, #tpu.memory_space<vmem>>, %arg8: memref<!tpu.dma_semaphore, #tpu.memory_space<semaphore_mem>>, %arg9: memref<!tpu.dma_semaphore, #tpu.memory_space<semaphore_mem>>, %arg10: memref<!tpu.dma_semaphore, #tpu.memory_space<semaphore_mem>>) attributes {dimension_semantics = [#tpu.dimension_semantics<core_parallel>, #tpu.dimension_semantics<subcore_parallel>], iteration_bounds = array<i64: 2, 16>, scalar_prefetch = 0 : i64, scratch_operands = 6 : i64, tpu.core_type = #tpu.core_type<sc_vector_subcore>, window_params = [{transform_indices = #map}, {transform_indices = #map1}, {transform_indices = #map}]} {
    %mul3A = arith.constant 2 : i32
    %mul3A_0 = arith.muli %arg1, %mul3A : i32
    %add3A = arith.addi %mul3A_0, %arg0 : i32
    %mul3A_1 = arith.constant 4608 : i32
    %mul3A_2 = arith.muli %add3A, %mul3A_1 : i32
    "tpu.region"() ({
      %run_scoped3A = tpu.sem_alloc : memref<!tpu.dma_semaphore, #tpu.memory_space<semaphore_mem>>
      %dma_start3A = tpu.memref_slice %arg3[%mul3A_2] : memref<147456xi32, #tpu.memory_space<hbm>> -> memref<4608xi32, #tpu.memory_space<hbm>>
      %dma_start3A_15 = tpu.memref_slice %arg3[%mul3A_2] : memref<147456xi32, #tpu.memory_space<hbm>> -> memref<4608xi32, #tpu.memory_space<hbm>>
      tpu.enqueue_dma source(%dma_start3A_15 : memref<4608xi32, #tpu.memory_space<hbm>>) target(%arg5 : memref<4608xi32, #tpu.memory_space<vmem>>) target_semaphore(%run_scoped3A : memref<!tpu.dma_semaphore, #tpu.memory_space<semaphore_mem>>)
      %dma_wait3A_16 = tpu.memref_slice %arg3[%mul3A_2] : memref<147456xi32, #tpu.memory_space<hbm>> -> memref<4608xi32, #tpu.memory_space<hbm>>
      %dma_wait3A_17 = tpu.memref_slice %arg3[%mul3A_2] : memref<147456xi32, #tpu.memory_space<hbm>> -> memref<4608xi32, #tpu.memory_space<hbm>>
      tpu.wait_dma2 semaphore(%run_scoped3A : memref<!tpu.dma_semaphore, #tpu.memory_space<semaphore_mem>>) src(%dma_wait3A_17 : memref<4608xi32, #tpu.memory_space<hbm>>) dst(%arg5 : memref<4608xi32, #tpu.memory_space<vmem>>)
      tpu.yield
    }) : () -> ()
    %scan3A = arith.constant 0 : i32
    %scan3A_3 = arith.constant 0 : i32
    %scan3A_4 = arith.constant 6 : i32
    %scan3A_5 = arith.addi %scan3A_3, %scan3A_4 : i32
    %scan3A_6 = arith.constant 1 : i32
    scf.for %scan3A_15 = %scan3A_3 to %scan3A_5 step %scan3A_6  : i32 {
      %gt3A = arith.constant 0 : i32
      %gt3A_16 = arith.cmpi sgt, %scan3A_15, %gt3A : i32
      %convert_element_type3A = arith.extui %gt3A_16 : i1 to i32
      %cond3A = arith.constant 0 : i32
      %cond3A_17 = arith.cmpi ne, %convert_element_type3A, %cond3A : i32
      scf.if %cond3A_17 {
        %dma_wait3A_148 = arith.constant 0 : i32
        %dma_wait3A_149 = tpu.memref_slice %arg4[%mul3A_2, %dma_wait3A_148] : memref<147456x128xf32, #tpu.memory_space<hbm>> -> memref<384x128xf32, #tpu.memory_space<hbm>>
        %dma_wait3A_150 = arith.constant 0 : i32
        %dma_wait3A_151 = tpu.memref_slice %arg4[%mul3A_2, %dma_wait3A_150] : memref<147456x128xf32, #tpu.memory_space<hbm>> -> memref<384x128xf32, #tpu.memory_space<hbm>>
        tpu.wait_dma2 semaphore(%arg9 : memref<!tpu.dma_semaphore, #tpu.memory_space<semaphore_mem>>) src(%dma_wait3A_151 : memref<384x128xf32, #tpu.memory_space<hbm>>) dst(%arg6 : memref<384x128xf32, #tpu.memory_space<vmem>>)
      } else {
      }
      %mul3A_18 = arith.constant 2 : i32
      %mul3A_19 = arith.muli %mul3A_18, %scan3A_15 : i32
      %mul3A_20 = arith.constant 384 : i32
      %mul3A_21 = arith.muli %mul3A_19, %mul3A_20 : i32
      %add3A_22 = arith.constant 0 : i32
      %add3A_23 = arith.addi %mul3A_21, %add3A_22 : i32
      %dma_start3A = arith.constant 0 : i32
      %dma_start3A_24 = arith.constant 0 : i32
      %dma_start3A_25 = tpu.memref_slice %arg6[%dma_start3A, %dma_start3A_24] : memref<384x128xf32, #tpu.memory_space<vmem>> -> memref<128x128xf32, #tpu.memory_space<vmem>>
      %dma_start3A_26 = tpu.memref_slice %arg5[%add3A_23] : memref<4608xi32, #tpu.memory_space<vmem>> -> memref<128xi32, #tpu.memory_space<vmem>>
      %dma_start3A_27 = arith.constant 0 : i32
      %dma_start3A_28 = arith.constant 0 : i32
      %dma_start3A_29 = tpu.memref_slice %arg2[%dma_start3A_27, %dma_start3A_28] : memref<100000x128xf32, #tpu.memory_space<hbm>> -> memref<100000x128xf32, #tpu.memory_space<hbm>>
      tpu.enqueue_indirect_dma source(%dma_start3A_29 : memref<100000x128xf32, #tpu.memory_space<hbm>>) target(%dma_start3A_25 : memref<128x128xf32, #tpu.memory_space<vmem>>) offsets(%dma_start3A_26 : memref<128xi32, #tpu.memory_space<vmem>>) semaphore(%arg8 : memref<!tpu.dma_semaphore, #tpu.memory_space<semaphore_mem>>)
      %add3A_30 = arith.constant 128 : i32
      %add3A_31 = arith.addi %mul3A_21, %add3A_30 : i32
      %dma_start3A_32 = arith.constant 128 : i32
      %dma_start3A_33 = arith.constant 0 : i32
      %dma_start3A_34 = tpu.memref_slice %arg6[%dma_start3A_32, %dma_start3A_33] : memref<384x128xf32, #tpu.memory_space<vmem>> -> memref<128x128xf32, #tpu.memory_space<vmem>>
      %dma_start3A_35 = tpu.memref_slice %arg5[%add3A_31] : memref<4608xi32, #tpu.memory_space<vmem>> -> memref<128xi32, #tpu.memory_space<vmem>>
      %dma_start3A_36 = arith.constant 0 : i32
      %dma_start3A_37 = arith.constant 0 : i32
      %dma_start3A_38 = tpu.memref_slice %arg2[%dma_start3A_36, %dma_start3A_37] : memref<100000x128xf32, #tpu.memory_space<hbm>> -> memref<100000x128xf32, #tpu.memory_space<hbm>>
      tpu.enqueue_indirect_dma source(%dma_start3A_38 : memref<100000x128xf32, #tpu.memory_space<hbm>>) target(%dma_start3A_34 : memref<128x128xf32, #tpu.memory_space<vmem>>) offsets(%dma_start3A_35 : memref<128xi32, #tpu.memory_space<vmem>>) semaphore(%arg8 : memref<!tpu.dma_semaphore, #tpu.memory_space<semaphore_mem>>)
      %add3A_39 = arith.constant 256 : i32
      %add3A_40 = arith.addi %mul3A_21, %add3A_39 : i32
      %dma_start3A_41 = arith.constant 256 : i32
      %dma_start3A_42 = arith.constant 0 : i32
      %dma_start3A_43 = tpu.memref_slice %arg6[%dma_start3A_41, %dma_start3A_42] : memref<384x128xf32, #tpu.memory_space<vmem>> -> memref<128x128xf32, #tpu.memory_space<vmem>>
      %dma_start3A_44 = tpu.memref_slice %arg5[%add3A_40] : memref<4608xi32, #tpu.memory_space<vmem>> -> memref<128xi32, #tpu.memory_space<vmem>>
      %dma_start3A_45 = arith.constant 0 : i32
      %dma_start3A_46 = arith.constant 0 : i32
      %dma_start3A_47 = tpu.memref_slice %arg2[%dma_start3A_45, %dma_start3A_46] : memref<100000x128xf32, #tpu.memory_space<hbm>> -> memref<100000x128xf32, #tpu.memory_space<hbm>>
      tpu.enqueue_indirect_dma source(%dma_start3A_47 : memref<100000x128xf32, #tpu.memory_space<hbm>>) target(%dma_start3A_43 : memref<128x128xf32, #tpu.memory_space<vmem>>) offsets(%dma_start3A_44 : memref<128xi32, #tpu.memory_space<vmem>>) semaphore(%arg8 : memref<!tpu.dma_semaphore, #tpu.memory_space<semaphore_mem>>)
      %dma_wait3A_48 = arith.constant 0 : i32
      %dma_wait3A_49 = arith.constant 0 : i32
      %dma_wait3A_50 = tpu.memref_slice %arg6[%dma_wait3A_48, %dma_wait3A_49] : memref<384x128xf32, #tpu.memory_space<vmem>> -> memref<128x128xf32, #tpu.memory_space<vmem>>
      %dma_wait3A_51 = tpu.memref_slice %arg5[%add3A_23] : memref<4608xi32, #tpu.memory_space<vmem>> -> memref<128xi32, #tpu.memory_space<vmem>>
      %dma_wait3A_52 = arith.constant 0 : i32
      %dma_wait3A_53 = arith.constant 0 : i32
      %dma_wait3A_54 = tpu.memref_slice %arg2[%dma_wait3A_52, %dma_wait3A_53] : memref<100000x128xf32, #tpu.memory_space<hbm>> -> memref<100000x128xf32, #tpu.memory_space<hbm>>
      tpu.wait_indirect_dma semaphore(%arg8 : memref<!tpu.dma_semaphore, #tpu.memory_space<semaphore_mem>>) src(%dma_wait3A_54 : memref<100000x128xf32, #tpu.memory_space<hbm>>) dst(%dma_wait3A_50 : memref<128x128xf32, #tpu.memory_space<vmem>>)
      %dma_wait3A_55 = arith.constant 128 : i32
      %dma_wait3A_56 = arith.constant 0 : i32
      %dma_wait3A_57 = tpu.memref_slice %arg6[%dma_wait3A_55, %dma_wait3A_56] : memref<384x128xf32, #tpu.memory_space<vmem>> -> memref<128x128xf32, #tpu.memory_space<vmem>>
      %dma_wait3A_58 = tpu.memref_slice %arg5[%add3A_31] : memref<4608xi32, #tpu.memory_space<vmem>> -> memref<128xi32, #tpu.memory_space<vmem>>
      %dma_wait3A_59 = arith.constant 0 : i32
      %dma_wait3A_60 = arith.constant 0 : i32
      %dma_wait3A_61 = tpu.memref_slice %arg2[%dma_wait3A_59, %dma_wait3A_60] : memref<100000x128xf32, #tpu.memory_space<hbm>> -> memref<100000x128xf32, #tpu.memory_space<hbm>>
      tpu.wait_indirect_dma semaphore(%arg8 : memref<!tpu.dma_semaphore, #tpu.memory_space<semaphore_mem>>) src(%dma_wait3A_61 : memref<100000x128xf32, #tpu.memory_space<hbm>>) dst(%dma_wait3A_57 : memref<128x128xf32, #tpu.memory_space<vmem>>)
      %dma_wait3A_62 = arith.constant 256 : i32
      %dma_wait3A_63 = arith.constant 0 : i32
      %dma_wait3A_64 = tpu.memref_slice %arg6[%dma_wait3A_62, %dma_wait3A_63] : memref<384x128xf32, #tpu.memory_space<vmem>> -> memref<128x128xf32, #tpu.memory_space<vmem>>
      %dma_wait3A_65 = tpu.memref_slice %arg5[%add3A_40] : memref<4608xi32, #tpu.memory_space<vmem>> -> memref<128xi32, #tpu.memory_space<vmem>>
      %dma_wait3A_66 = arith.constant 0 : i32
      %dma_wait3A_67 = arith.constant 0 : i32
      %dma_wait3A_68 = tpu.memref_slice %arg2[%dma_wait3A_66, %dma_wait3A_67] : memref<100000x128xf32, #tpu.memory_space<hbm>> -> memref<100000x128xf32, #tpu.memory_space<hbm>>
      tpu.wait_indirect_dma semaphore(%arg8 : memref<!tpu.dma_semaphore, #tpu.memory_space<semaphore_mem>>) src(%dma_wait3A_68 : memref<100000x128xf32, #tpu.memory_space<hbm>>) dst(%dma_wait3A_64 : memref<128x128xf32, #tpu.memory_space<vmem>>)
      %gt3A_69 = arith.constant 0 : i32
      %gt3A_70 = arith.cmpi sgt, %scan3A_15, %gt3A_69 : i32
      %convert_element_type3A_71 = arith.extui %gt3A_70 : i1 to i32
      %cond3A_72 = arith.constant 0 : i32
      %cond3A_73 = arith.cmpi ne, %convert_element_type3A_71, %cond3A_72 : i32
      scf.if %cond3A_73 {
        %dma_wait3A_148 = arith.constant 0 : i32
        %dma_wait3A_149 = tpu.memref_slice %arg4[%mul3A_2, %dma_wait3A_148] : memref<147456x128xf32, #tpu.memory_space<hbm>> -> memref<384x128xf32, #tpu.memory_space<hbm>>
        %dma_wait3A_150 = arith.constant 0 : i32
        %dma_wait3A_151 = tpu.memref_slice %arg4[%mul3A_2, %dma_wait3A_150] : memref<147456x128xf32, #tpu.memory_space<hbm>> -> memref<384x128xf32, #tpu.memory_space<hbm>>
        tpu.wait_dma2 semaphore(%arg10 : memref<!tpu.dma_semaphore, #tpu.memory_space<semaphore_mem>>) src(%dma_wait3A_151 : memref<384x128xf32, #tpu.memory_space<hbm>>) dst(%arg7 : memref<384x128xf32, #tpu.memory_space<vmem>>)
      } else {
      }
      %mul3A_74 = arith.constant 2 : i32
      %mul3A_75 = arith.muli %mul3A_74, %scan3A_15 : i32
      %mul3A_76 = arith.constant 384 : i32
      %mul3A_77 = arith.muli %mul3A_75, %mul3A_76 : i32
      %add3A_78 = arith.addi %mul3A_2, %mul3A_77 : i32
      %dma_start3A_79 = arith.constant 0 : i32
      %dma_start3A_80 = tpu.memref_slice %arg4[%add3A_78, %dma_start3A_79] : memref<147456x128xf32, #tpu.memory_space<hbm>> -> memref<384x128xf32, #tpu.memory_space<hbm>>
      %dma_start3A_81 = arith.constant 0 : i32
      %dma_start3A_82 = tpu.memref_slice %arg4[%add3A_78, %dma_start3A_81] : memref<147456x128xf32, #tpu.memory_space<hbm>> -> memref<384x128xf32, #tpu.memory_space<hbm>>
      tpu.enqueue_dma source(%arg6 : memref<384x128xf32, #tpu.memory_space<vmem>>) target(%dma_start3A_82 : memref<384x128xf32, #tpu.memory_space<hbm>>) target_semaphore(%arg9 : memref<!tpu.dma_semaphore, #tpu.memory_space<semaphore_mem>>)
      %mul3A_83 = arith.constant 2 : i32
      %mul3A_84 = arith.muli %mul3A_83, %scan3A_15 : i32
      %add3A_85 = arith.constant 1 : i32
      %add3A_86 = arith.addi %mul3A_84, %add3A_85 : i32
      %mul3A_87 = arith.constant 384 : i32
      %mul3A_88 = arith.muli %add3A_86, %mul3A_87 : i32
      %add3A_89 = arith.constant 0 : i32
      %add3A_90 = arith.addi %mul3A_88, %add3A_89 : i32
      %dma_start3A_91 = arith.constant 0 : i32
      %dma_start3A_92 = arith.constant 0 : i32
      %dma_start3A_93 = tpu.memref_slice %arg7[%dma_start3A_91, %dma_start3A_92] : memref<384x128xf32, #tpu.memory_space<vmem>> -> memref<128x128xf32, #tpu.memory_space<vmem>>
      %dma_start3A_94 = tpu.memref_slice %arg5[%add3A_90] : memref<4608xi32, #tpu.memory_space<vmem>> -> memref<128xi32, #tpu.memory_space<vmem>>
      %dma_start3A_95 = arith.constant 0 : i32
      %dma_start3A_96 = arith.constant 0 : i32
      %dma_start3A_97 = tpu.memref_slice %arg2[%dma_start3A_95, %dma_start3A_96] : memref<100000x128xf32, #tpu.memory_space<hbm>> -> memref<100000x128xf32, #tpu.memory_space<hbm>>
      tpu.enqueue_indirect_dma source(%dma_start3A_97 : memref<100000x128xf32, #tpu.memory_space<hbm>>) target(%dma_start3A_93 : memref<128x128xf32, #tpu.memory_space<vmem>>) offsets(%dma_start3A_94 : memref<128xi32, #tpu.memory_space<vmem>>) semaphore(%arg8 : memref<!tpu.dma_semaphore, #tpu.memory_space<semaphore_mem>>)
      %add3A_98 = arith.constant 128 : i32
      %add3A_99 = arith.addi %mul3A_88, %add3A_98 : i32
      %dma_start3A_100 = arith.constant 128 : i32
      %dma_start3A_101 = arith.constant 0 : i32
      %dma_start3A_102 = tpu.memref_slice %arg7[%dma_start3A_100, %dma_start3A_101] : memref<384x128xf32, #tpu.memory_space<vmem>> -> memref<128x128xf32, #tpu.memory_space<vmem>>
      %dma_start3A_103 = tpu.memref_slice %arg5[%add3A_99] : memref<4608xi32, #tpu.memory_space<vmem>> -> memref<128xi32, #tpu.memory_space<vmem>>
      %dma_start3A_104 = arith.constant 0 : i32
      %dma_start3A_105 = arith.constant 0 : i32
      %dma_start3A_106 = tpu.memref_slice %arg2[%dma_start3A_104, %dma_start3A_105] : memref<100000x128xf32, #tpu.memory_space<hbm>> -> memref<100000x128xf32, #tpu.memory_space<hbm>>
      tpu.enqueue_indirect_dma source(%dma_start3A_106 : memref<100000x128xf32, #tpu.memory_space<hbm>>) target(%dma_start3A_102 : memref<128x128xf32, #tpu.memory_space<vmem>>) offsets(%dma_start3A_103 : memref<128xi32, #tpu.memory_space<vmem>>) semaphore(%arg8 : memref<!tpu.dma_semaphore, #tpu.memory_space<semaphore_mem>>)
      %add3A_107 = arith.constant 256 : i32
      %add3A_108 = arith.addi %mul3A_88, %add3A_107 : i32
      %dma_start3A_109 = arith.constant 256 : i32
      %dma_start3A_110 = arith.constant 0 : i32
      %dma_start3A_111 = tpu.memref_slice %arg7[%dma_start3A_109, %dma_start3A_110] : memref<384x128xf32, #tpu.memory_space<vmem>> -> memref<128x128xf32, #tpu.memory_space<vmem>>
      %dma_start3A_112 = tpu.memref_slice %arg5[%add3A_108] : memref<4608xi32, #tpu.memory_space<vmem>> -> memref<128xi32, #tpu.memory_space<vmem>>
      %dma_start3A_113 = arith.constant 0 : i32
      %dma_start3A_114 = arith.constant 0 : i32
      %dma_start3A_115 = tpu.memref_slice %arg2[%dma_start3A_113, %dma_start3A_114] : memref<100000x128xf32, #tpu.memory_space<hbm>> -> memref<100000x128xf32, #tpu.memory_space<hbm>>
      tpu.enqueue_indirect_dma source(%dma_start3A_115 : memref<100000x128xf32, #tpu.memory_space<hbm>>) target(%dma_start3A_111 : memref<128x128xf32, #tpu.memory_space<vmem>>) offsets(%dma_start3A_112 : memref<128xi32, #tpu.memory_space<vmem>>) semaphore(%arg8 : memref<!tpu.dma_semaphore, #tpu.memory_space<semaphore_mem>>)
      %dma_wait3A_116 = arith.constant 0 : i32
      %dma_wait3A_117 = arith.constant 0 : i32
      %dma_wait3A_118 = tpu.memref_slice %arg7[%dma_wait3A_116, %dma_wait3A_117] : memref<384x128xf32, #tpu.memory_space<vmem>> -> memref<128x128xf32, #tpu.memory_space<vmem>>
      %dma_wait3A_119 = tpu.memref_slice %arg5[%add3A_90] : memref<4608xi32, #tpu.memory_space<vmem>> -> memref<128xi32, #tpu.memory_space<vmem>>
      %dma_wait3A_120 = arith.constant 0 : i32
      %dma_wait3A_121 = arith.constant 0 : i32
      %dma_wait3A_122 = tpu.memref_slice %arg2[%dma_wait3A_120, %dma_wait3A_121] : memref<100000x128xf32, #tpu.memory_space<hbm>> -> memref<100000x128xf32, #tpu.memory_space<hbm>>
      tpu.wait_indirect_dma semaphore(%arg8 : memref<!tpu.dma_semaphore, #tpu.memory_space<semaphore_mem>>) src(%dma_wait3A_122 : memref<100000x128xf32, #tpu.memory_space<hbm>>) dst(%dma_wait3A_118 : memref<128x128xf32, #tpu.memory_space<vmem>>)
      %dma_wait3A_123 = arith.constant 128 : i32
      %dma_wait3A_124 = arith.constant 0 : i32
      %dma_wait3A_125 = tpu.memref_slice %arg7[%dma_wait3A_123, %dma_wait3A_124] : memref<384x128xf32, #tpu.memory_space<vmem>> -> memref<128x128xf32, #tpu.memory_space<vmem>>
      %dma_wait3A_126 = tpu.memref_slice %arg5[%add3A_99] : memref<4608xi32, #tpu.memory_space<vmem>> -> memref<128xi32, #tpu.memory_space<vmem>>
      %dma_wait3A_127 = arith.constant 0 : i32
      %dma_wait3A_128 = arith.constant 0 : i32
      %dma_wait3A_129 = tpu.memref_slice %arg2[%dma_wait3A_127, %dma_wait3A_128] : memref<100000x128xf32, #tpu.memory_space<hbm>> -> memref<100000x128xf32, #tpu.memory_space<hbm>>
      tpu.wait_indirect_dma semaphore(%arg8 : memref<!tpu.dma_semaphore, #tpu.memory_space<semaphore_mem>>) src(%dma_wait3A_129 : memref<100000x128xf32, #tpu.memory_space<hbm>>) dst(%dma_wait3A_125 : memref<128x128xf32, #tpu.memory_space<vmem>>)
      %dma_wait3A_130 = arith.constant 256 : i32
      %dma_wait3A_131 = arith.constant 0 : i32
      %dma_wait3A_132 = tpu.memref_slice %arg7[%dma_wait3A_130, %dma_wait3A_131] : memref<384x128xf32, #tpu.memory_space<vmem>> -> memref<128x128xf32, #tpu.memory_space<vmem>>
      %dma_wait3A_133 = tpu.memref_slice %arg5[%add3A_108] : memref<4608xi32, #tpu.memory_space<vmem>> -> memref<128xi32, #tpu.memory_space<vmem>>
      %dma_wait3A_134 = arith.constant 0 : i32
      %dma_wait3A_135 = arith.constant 0 : i32
      %dma_wait3A_136 = tpu.memref_slice %arg2[%dma_wait3A_134, %dma_wait3A_135] : memref<100000x128xf32, #tpu.memory_space<hbm>> -> memref<100000x128xf32, #tpu.memory_space<hbm>>
      tpu.wait_indirect_dma semaphore(%arg8 : memref<!tpu.dma_semaphore, #tpu.memory_space<semaphore_mem>>) src(%dma_wait3A_136 : memref<100000x128xf32, #tpu.memory_space<hbm>>) dst(%dma_wait3A_132 : memref<128x128xf32, #tpu.memory_space<vmem>>)
      %mul3A_137 = arith.constant 2 : i32
      %mul3A_138 = arith.muli %mul3A_137, %scan3A_15 : i32
      %add3A_139 = arith.constant 1 : i32
      %add3A_140 = arith.addi %mul3A_138, %add3A_139 : i32
      %mul3A_141 = arith.constant 384 : i32
      %mul3A_142 = arith.muli %add3A_140, %mul3A_141 : i32
      %add3A_143 = arith.addi %mul3A_2, %mul3A_142 : i32
      %dma_start3A_144 = arith.constant 0 : i32
      %dma_start3A_145 = tpu.memref_slice %arg4[%add3A_143, %dma_start3A_144] : memref<147456x128xf32, #tpu.memory_space<hbm>> -> memref<384x128xf32, #tpu.memory_space<hbm>>
      %dma_start3A_146 = arith.constant 0 : i32
      %dma_start3A_147 = tpu.memref_slice %arg4[%add3A_143, %dma_start3A_146] : memref<147456x128xf32, #tpu.memory_space<hbm>> -> memref<384x128xf32, #tpu.memory_space<hbm>>
      tpu.enqueue_dma source(%arg7 : memref<384x128xf32, #tpu.memory_space<vmem>>) target(%dma_start3A_147 : memref<384x128xf32, #tpu.memory_space<hbm>>) target_semaphore(%arg10 : memref<!tpu.dma_semaphore, #tpu.memory_space<semaphore_mem>>)
    }
    %scan3A_7 = arith.constant 6 : i32
    %dma_wait3A = arith.constant 0 : i32
    %dma_wait3A_8 = tpu.memref_slice %arg4[%mul3A_2, %dma_wait3A] : memref<147456x128xf32, #tpu.memory_space<hbm>> -> memref<384x128xf32, #tpu.memory_space<hbm>>
    %dma_wait3A_9 = arith.constant 0 : i32
    %dma_wait3A_10 = tpu.memref_slice %arg4[%mul3A_2, %dma_wait3A_9] : memref<147456x128xf32, #tpu.memory_space<hbm>> -> memref<384x128xf32, #tpu.memory_space<hbm>>
    tpu.wait_dma2 semaphore(%arg9 : memref<!tpu.dma_semaphore, #tpu.memory_space<semaphore_mem>>) src(%dma_wait3A_10 : memref<384x128xf32, #tpu.memory_space<hbm>>) dst(%arg6 : memref<384x128xf32, #tpu.memory_space<vmem>>)
    %dma_wait3A_11 = arith.constant 0 : i32
    %dma_wait3A_12 = tpu.memref_slice %arg4[%mul3A_2, %dma_wait3A_11] : memref<147456x128xf32, #tpu.memory_space<hbm>> -> memref<384x128xf32, #tpu.memory_space<hbm>>
    %dma_wait3A_13 = arith.constant 0 : i32
    %dma_wait3A_14 = tpu.memref_slice %arg4[%mul3A_2, %dma_wait3A_13] : memref<147456x128xf32, #tpu.memory_space<hbm>> -> memref<384x128xf32, #tpu.memory_space<hbm>>
    tpu.wait_dma2 semaphore(%arg10 : memref<!tpu.dma_semaphore, #tpu.memory_space<semaphore_mem>>) src(%dma_wait3A_14 : memref<384x128xf32, #tpu.memory_space<hbm>>) dst(%arg7 : memref<384x128xf32, #tpu.memory_space<vmem>>)
    return
  }
}

#map = affine_map<(d0, d1) -> (0, 0)>
#map1 = affine_map<(d0, d1) -> (0)>
module attributes {stable_mosaic.version = 14 : i64} {
  func.func @_sc_gather_v_body(%arg0: i32, %arg1: i32, %arg2: memref<100000x128xf32, #tpu.memory_space<hbm>>, %arg3: memref<147456xi32, #tpu.memory_space<hbm>>, %arg4: memref<147456x128xf32, #tpu.memory_space<hbm>>, %arg5: memref<4608xi32, #tpu.memory_space<vmem>>, %arg6: memref<384x128xf32, #tpu.memory_space<vmem>>, %arg7: memref<384x128xf32, #tpu.memory_space<vmem>>, %arg8: memref<!tpu.dma_semaphore, #tpu.memory_space<semaphore_mem>>, %arg9: memref<!tpu.dma_semaphore, #tpu.memory_space<semaphore_mem>>, %arg10: memref<!tpu.dma_semaphore, #tpu.memory_space<semaphore_mem>>) attributes {dimension_semantics = [#tpu.dimension_semantics<core_parallel>, #tpu.dimension_semantics<subcore_parallel>], iteration_bounds = array<i64: 2, 16>, scalar_prefetch = 0 : i64, scratch_operands = 6 : i64, tpu.core_type = #tpu.core_type<sc_vector_subcore>, window_params = [{transform_indices = #map}, {transform_indices = #map1}, {transform_indices = #map}]} {
    %mul3A = arith.constant 2 : i32
    %mul3A_0 = arith.muli %arg1, %mul3A : i32
    %add3A = arith.addi %mul3A_0, %arg0 : i32
    %mul3A_1 = arith.constant 4608 : i32
    %mul3A_2 = arith.muli %add3A, %mul3A_1 : i32
    "tpu.region"() ({
      %run_scoped3A = tpu.sem_alloc : memref<!tpu.dma_semaphore, #tpu.memory_space<semaphore_mem>>
      %dma_start3A = tpu.memref_slice %arg3[%mul3A_2] : memref<147456xi32, #tpu.memory_space<hbm>> -> memref<4608xi32, #tpu.memory_space<hbm>>
      %dma_start3A_15 = tpu.memref_slice %arg3[%mul3A_2] : memref<147456xi32, #tpu.memory_space<hbm>> -> memref<4608xi32, #tpu.memory_space<hbm>>
      tpu.enqueue_dma source(%dma_start3A_15 : memref<4608xi32, #tpu.memory_space<hbm>>) target(%arg5 : memref<4608xi32, #tpu.memory_space<vmem>>) target_semaphore(%run_scoped3A : memref<!tpu.dma_semaphore, #tpu.memory_space<semaphore_mem>>)
      %dma_wait3A_16 = tpu.memref_slice %arg3[%mul3A_2] : memref<147456xi32, #tpu.memory_space<hbm>> -> memref<4608xi32, #tpu.memory_space<hbm>>
      %dma_wait3A_17 = tpu.memref_slice %arg3[%mul3A_2] : memref<147456xi32, #tpu.memory_space<hbm>> -> memref<4608xi32, #tpu.memory_space<hbm>>
      tpu.wait_dma2 semaphore(%run_scoped3A : memref<!tpu.dma_semaphore, #tpu.memory_space<semaphore_mem>>) src(%dma_wait3A_17 : memref<4608xi32, #tpu.memory_space<hbm>>) dst(%arg5 : memref<4608xi32, #tpu.memory_space<vmem>>)
      tpu.yield
    }) : () -> ()
    %scan3A = arith.constant 0 : i32
    %scan3A_3 = arith.constant 0 : i32
    %scan3A_4 = arith.constant 6 : i32
    %scan3A_5 = arith.addi %scan3A_3, %scan3A_4 : i32
    %scan3A_6 = arith.constant 1 : i32
    scf.for %scan3A_15 = %scan3A_3 to %scan3A_5 step %scan3A_6  : i32 {
      %gt3A = arith.constant 0 : i32
      %gt3A_16 = arith.cmpi sgt, %scan3A_15, %gt3A : i32
      %convert_element_type3A = arith.extui %gt3A_16 : i1 to i32
      %cond3A = arith.constant 0 : i32
      %cond3A_17 = arith.cmpi ne, %convert_element_type3A, %cond3A : i32
      scf.if %cond3A_17 {
        %dma_wait3A_148 = arith.constant 0 : i32
        %dma_wait3A_149 = tpu.memref_slice %arg4[%mul3A_2, %dma_wait3A_148] : memref<147456x128xf32, #tpu.memory_space<hbm>> -> memref<384x128xf32, #tpu.memory_space<hbm>>
        %dma_wait3A_150 = arith.constant 0 : i32
        %dma_wait3A_151 = tpu.memref_slice %arg4[%mul3A_2, %dma_wait3A_150] : memref<147456x128xf32, #tpu.memory_space<hbm>> -> memref<384x128xf32, #tpu.memory_space<hbm>>
        tpu.wait_dma2 semaphore(%arg9 : memref<!tpu.dma_semaphore, #tpu.memory_space<semaphore_mem>>) src(%dma_wait3A_151 : memref<384x128xf32, #tpu.memory_space<hbm>>) dst(%arg6 : memref<384x128xf32, #tpu.memory_space<vmem>>)
      } else {
      }
      %mul3A_18 = arith.constant 2 : i32
      %mul3A_19 = arith.muli %mul3A_18, %scan3A_15 : i32
      %mul3A_20 = arith.constant 384 : i32
      %mul3A_21 = arith.muli %mul3A_19, %mul3A_20 : i32
      %add3A_22 = arith.constant 0 : i32
      %add3A_23 = arith.addi %mul3A_21, %add3A_22 : i32
      %dma_start3A = arith.constant 0 : i32
      %dma_start3A_24 = arith.constant 0 : i32
      %dma_start3A_25 = tpu.memref_slice %arg6[%dma_start3A, %dma_start3A_24] : memref<384x128xf32, #tpu.memory_space<vmem>> -> memref<128x128xf32, #tpu.memory_space<vmem>>
      %dma_start3A_26 = tpu.memref_slice %arg5[%add3A_23] : memref<4608xi32, #tpu.memory_space<vmem>> -> memref<128xi32, #tpu.memory_space<vmem>>
      %dma_start3A_27 = arith.constant 0 : i32
      %dma_start3A_28 = arith.constant 0 : i32
      %dma_start3A_29 = tpu.memref_slice %arg2[%dma_start3A_27, %dma_start3A_28] : memref<100000x128xf32, #tpu.memory_space<hbm>> -> memref<100000x128xf32, #tpu.memory_space<hbm>>
      tpu.enqueue_indirect_dma source(%dma_start3A_29 : memref<100000x128xf32, #tpu.memory_space<hbm>>) target(%dma_start3A_25 : memref<128x128xf32, #tpu.memory_space<vmem>>) offsets(%dma_start3A_26 : memref<128xi32, #tpu.memory_space<vmem>>) semaphore(%arg8 : memref<!tpu.dma_semaphore, #tpu.memory_space<semaphore_mem>>)
      %add3A_30 = arith.constant 128 : i32
      %add3A_31 = arith.addi %mul3A_21, %add3A_30 : i32
      %dma_start3A_32 = arith.constant 128 : i32
      %dma_start3A_33 = arith.constant 0 : i32
      %dma_start3A_34 = tpu.memref_slice %arg6[%dma_start3A_32, %dma_start3A_33] : memref<384x128xf32, #tpu.memory_space<vmem>> -> memref<128x128xf32, #tpu.memory_space<vmem>>
      %dma_start3A_35 = tpu.memref_slice %arg5[%add3A_31] : memref<4608xi32, #tpu.memory_space<vmem>> -> memref<128xi32, #tpu.memory_space<vmem>>
      %dma_start3A_36 = arith.constant 0 : i32
      %dma_start3A_37 = arith.constant 0 : i32
      %dma_start3A_38 = tpu.memref_slice %arg2[%dma_start3A_36, %dma_start3A_37] : memref<100000x128xf32, #tpu.memory_space<hbm>> -> memref<100000x128xf32, #tpu.memory_space<hbm>>
      tpu.enqueue_indirect_dma source(%dma_start3A_38 : memref<100000x128xf32, #tpu.memory_space<hbm>>) target(%dma_start3A_34 : memref<128x128xf32, #tpu.memory_space<vmem>>) offsets(%dma_start3A_35 : memref<128xi32, #tpu.memory_space<vmem>>) semaphore(%arg8 : memref<!tpu.dma_semaphore, #tpu.memory_space<semaphore_mem>>)
      %add3A_39 = arith.constant 256 : i32
      %add3A_40 = arith.addi %mul3A_21, %add3A_39 : i32
      %dma_start3A_41 = arith.constant 256 : i32
      %dma_start3A_42 = arith.constant 0 : i32
      %dma_start3A_43 = tpu.memref_slice %arg6[%dma_start3A_41, %dma_start3A_42] : memref<384x128xf32, #tpu.memory_space<vmem>> -> memref<128x128xf32, #tpu.memory_space<vmem>>
      %dma_start3A_44 = tpu.memref_slice %arg5[%add3A_40] : memref<4608xi32, #tpu.memory_space<vmem>> -> memref<128xi32, #tpu.memory_space<vmem>>
      %dma_start3A_45 = arith.constant 0 : i32
      %dma_start3A_46 = arith.constant 0 : i32
      %dma_start3A_47 = tpu.memref_slice %arg2[%dma_start3A_45, %dma_start3A_46] : memref<100000x128xf32, #tpu.memory_space<hbm>> -> memref<100000x128xf32, #tpu.memory_space<hbm>>
      tpu.enqueue_indirect_dma source(%dma_start3A_47 : memref<100000x128xf32, #tpu.memory_space<hbm>>) target(%dma_start3A_43 : memref<128x128xf32, #tpu.memory_space<vmem>>) offsets(%dma_start3A_44 : memref<128xi32, #tpu.memory_space<vmem>>) semaphore(%arg8 : memref<!tpu.dma_semaphore, #tpu.memory_space<semaphore_mem>>)
      %dma_wait3A_48 = arith.constant 0 : i32
      %dma_wait3A_49 = arith.constant 0 : i32
      %dma_wait3A_50 = tpu.memref_slice %arg6[%dma_wait3A_48, %dma_wait3A_49] : memref<384x128xf32, #tpu.memory_space<vmem>> -> memref<128x128xf32, #tpu.memory_space<vmem>>
      %dma_wait3A_51 = tpu.memref_slice %arg5[%add3A_23] : memref<4608xi32, #tpu.memory_space<vmem>> -> memref<128xi32, #tpu.memory_space<vmem>>
      %dma_wait3A_52 = arith.constant 0 : i32
      %dma_wait3A_53 = arith.constant 0 : i32
      %dma_wait3A_54 = tpu.memref_slice %arg2[%dma_wait3A_52, %dma_wait3A_53] : memref<100000x128xf32, #tpu.memory_space<hbm>> -> memref<100000x128xf32, #tpu.memory_space<hbm>>
      tpu.wait_indirect_dma semaphore(%arg8 : memref<!tpu.dma_semaphore, #tpu.memory_space<semaphore_mem>>) src(%dma_wait3A_54 : memref<100000x128xf32, #tpu.memory_space<hbm>>) dst(%dma_wait3A_50 : memref<128x128xf32, #tpu.memory_space<vmem>>)
      %dma_wait3A_55 = arith.constant 128 : i32
      %dma_wait3A_56 = arith.constant 0 : i32
      %dma_wait3A_57 = tpu.memref_slice %arg6[%dma_wait3A_55, %dma_wait3A_56] : memref<384x128xf32, #tpu.memory_space<vmem>> -> memref<128x128xf32, #tpu.memory_space<vmem>>
      %dma_wait3A_58 = tpu.memref_slice %arg5[%add3A_31] : memref<4608xi32, #tpu.memory_space<vmem>> -> memref<128xi32, #tpu.memory_space<vmem>>
      %dma_wait3A_59 = arith.constant 0 : i32
      %dma_wait3A_60 = arith.constant 0 : i32
      %dma_wait3A_61 = tpu.memref_slice %arg2[%dma_wait3A_59, %dma_wait3A_60] : memref<100000x128xf32, #tpu.memory_space<hbm>> -> memref<100000x128xf32, #tpu.memory_space<hbm>>
      tpu.wait_indirect_dma semaphore(%arg8 : memref<!tpu.dma_semaphore, #tpu.memory_space<semaphore_mem>>) src(%dma_wait3A_61 : memref<100000x128xf32, #tpu.memory_space<hbm>>) dst(%dma_wait3A_57 : memref<128x128xf32, #tpu.memory_space<vmem>>)
      %dma_wait3A_62 = arith.constant 256 : i32
      %dma_wait3A_63 = arith.constant 0 : i32
      %dma_wait3A_64 = tpu.memref_slice %arg6[%dma_wait3A_62, %dma_wait3A_63] : memref<384x128xf32, #tpu.memory_space<vmem>> -> memref<128x128xf32, #tpu.memory_space<vmem>>
      %dma_wait3A_65 = tpu.memref_slice %arg5[%add3A_40] : memref<4608xi32, #tpu.memory_space<vmem>> -> memref<128xi32, #tpu.memory_space<vmem>>
      %dma_wait3A_66 = arith.constant 0 : i32
      %dma_wait3A_67 = arith.constant 0 : i32
      %dma_wait3A_68 = tpu.memref_slice %arg2[%dma_wait3A_66, %dma_wait3A_67] : memref<100000x128xf32, #tpu.memory_space<hbm>> -> memref<100000x128xf32, #tpu.memory_space<hbm>>
      tpu.wait_indirect_dma semaphore(%arg8 : memref<!tpu.dma_semaphore, #tpu.memory_space<semaphore_mem>>) src(%dma_wait3A_68 : memref<100000x128xf32, #tpu.memory_space<hbm>>) dst(%dma_wait3A_64 : memref<128x128xf32, #tpu.memory_space<vmem>>)
      %gt3A_69 = arith.constant 0 : i32
      %gt3A_70 = arith.cmpi sgt, %scan3A_15, %gt3A_69 : i32
      %convert_element_type3A_71 = arith.extui %gt3A_70 : i1 to i32
      %cond3A_72 = arith.constant 0 : i32
      %cond3A_73 = arith.cmpi ne, %convert_element_type3A_71, %cond3A_72 : i32
      scf.if %cond3A_73 {
        %dma_wait3A_148 = arith.constant 0 : i32
        %dma_wait3A_149 = tpu.memref_slice %arg4[%mul3A_2, %dma_wait3A_148] : memref<147456x128xf32, #tpu.memory_space<hbm>> -> memref<384x128xf32, #tpu.memory_space<hbm>>
        %dma_wait3A_150 = arith.constant 0 : i32
        %dma_wait3A_151 = tpu.memref_slice %arg4[%mul3A_2, %dma_wait3A_150] : memref<147456x128xf32, #tpu.memory_space<hbm>> -> memref<384x128xf32, #tpu.memory_space<hbm>>
        tpu.wait_dma2 semaphore(%arg10 : memref<!tpu.dma_semaphore, #tpu.memory_space<semaphore_mem>>) src(%dma_wait3A_151 : memref<384x128xf32, #tpu.memory_space<hbm>>) dst(%arg7 : memref<384x128xf32, #tpu.memory_space<vmem>>)
      } else {
      }
      %mul3A_74 = arith.constant 2 : i32
      %mul3A_75 = arith.muli %mul3A_74, %scan3A_15 : i32
      %mul3A_76 = arith.constant 384 : i32
      %mul3A_77 = arith.muli %mul3A_75, %mul3A_76 : i32
      %add3A_78 = arith.addi %mul3A_2, %mul3A_77 : i32
      %dma_start3A_79 = arith.constant 0 : i32
      %dma_start3A_80 = tpu.memref_slice %arg4[%add3A_78, %dma_start3A_79] : memref<147456x128xf32, #tpu.memory_space<hbm>> -> memref<384x128xf32, #tpu.memory_space<hbm>>
      %dma_start3A_81 = arith.constant 0 : i32
      %dma_start3A_82 = tpu.memref_slice %arg4[%add3A_78, %dma_start3A_81] : memref<147456x128xf32, #tpu.memory_space<hbm>> -> memref<384x128xf32, #tpu.memory_space<hbm>>
      tpu.enqueue_dma source(%arg6 : memref<384x128xf32, #tpu.memory_space<vmem>>) target(%dma_start3A_82 : memref<384x128xf32, #tpu.memory_space<hbm>>) target_semaphore(%arg9 : memref<!tpu.dma_semaphore, #tpu.memory_space<semaphore_mem>>)
      %mul3A_83 = arith.constant 2 : i32
      %mul3A_84 = arith.muli %mul3A_83, %scan3A_15 : i32
      %add3A_85 = arith.constant 1 : i32
      %add3A_86 = arith.addi %mul3A_84, %add3A_85 : i32
      %mul3A_87 = arith.constant 384 : i32
      %mul3A_88 = arith.muli %add3A_86, %mul3A_87 : i32
      %add3A_89 = arith.constant 0 : i32
      %add3A_90 = arith.addi %mul3A_88, %add3A_89 : i32
      %dma_start3A_91 = arith.constant 0 : i32
      %dma_start3A_92 = arith.constant 0 : i32
      %dma_start3A_93 = tpu.memref_slice %arg7[%dma_start3A_91, %dma_start3A_92] : memref<384x128xf32, #tpu.memory_space<vmem>> -> memref<128x128xf32, #tpu.memory_space<vmem>>
      %dma_start3A_94 = tpu.memref_slice %arg5[%add3A_90] : memref<4608xi32, #tpu.memory_space<vmem>> -> memref<128xi32, #tpu.memory_space<vmem>>
      %dma_start3A_95 = arith.constant 0 : i32
      %dma_start3A_96 = arith.constant 0 : i32
      %dma_start3A_97 = tpu.memref_slice %arg2[%dma_start3A_95, %dma_start3A_96] : memref<100000x128xf32, #tpu.memory_space<hbm>> -> memref<100000x128xf32, #tpu.memory_space<hbm>>
      tpu.enqueue_indirect_dma source(%dma_start3A_97 : memref<100000x128xf32, #tpu.memory_space<hbm>>) target(%dma_start3A_93 : memref<128x128xf32, #tpu.memory_space<vmem>>) offsets(%dma_start3A_94 : memref<128xi32, #tpu.memory_space<vmem>>) semaphore(%arg8 : memref<!tpu.dma_semaphore, #tpu.memory_space<semaphore_mem>>)
      %add3A_98 = arith.constant 128 : i32
      %add3A_99 = arith.addi %mul3A_88, %add3A_98 : i32
      %dma_start3A_100 = arith.constant 128 : i32
      %dma_start3A_101 = arith.constant 0 : i32
      %dma_start3A_102 = tpu.memref_slice %arg7[%dma_start3A_100, %dma_start3A_101] : memref<384x128xf32, #tpu.memory_space<vmem>> -> memref<128x128xf32, #tpu.memory_space<vmem>>
      %dma_start3A_103 = tpu.memref_slice %arg5[%add3A_99] : memref<4608xi32, #tpu.memory_space<vmem>> -> memref<128xi32, #tpu.memory_space<vmem>>
      %dma_start3A_104 = arith.constant 0 : i32
      %dma_start3A_105 = arith.constant 0 : i32
      %dma_start3A_106 = tpu.memref_slice %arg2[%dma_start3A_104, %dma_start3A_105] : memref<100000x128xf32, #tpu.memory_space<hbm>> -> memref<100000x128xf32, #tpu.memory_space<hbm>>
      tpu.enqueue_indirect_dma source(%dma_start3A_106 : memref<100000x128xf32, #tpu.memory_space<hbm>>) target(%dma_start3A_102 : memref<128x128xf32, #tpu.memory_space<vmem>>) offsets(%dma_start3A_103 : memref<128xi32, #tpu.memory_space<vmem>>) semaphore(%arg8 : memref<!tpu.dma_semaphore, #tpu.memory_space<semaphore_mem>>)
      %add3A_107 = arith.constant 256 : i32
      %add3A_108 = arith.addi %mul3A_88, %add3A_107 : i32
      %dma_start3A_109 = arith.constant 256 : i32
      %dma_start3A_110 = arith.constant 0 : i32
      %dma_start3A_111 = tpu.memref_slice %arg7[%dma_start3A_109, %dma_start3A_110] : memref<384x128xf32, #tpu.memory_space<vmem>> -> memref<128x128xf32, #tpu.memory_space<vmem>>
      %dma_start3A_112 = tpu.memref_slice %arg5[%add3A_108] : memref<4608xi32, #tpu.memory_space<vmem>> -> memref<128xi32, #tpu.memory_space<vmem>>
      %dma_start3A_113 = arith.constant 0 : i32
      %dma_start3A_114 = arith.constant 0 : i32
      %dma_start3A_115 = tpu.memref_slice %arg2[%dma_start3A_113, %dma_start3A_114] : memref<100000x128xf32, #tpu.memory_space<hbm>> -> memref<100000x128xf32, #tpu.memory_space<hbm>>
      tpu.enqueue_indirect_dma source(%dma_start3A_115 : memref<100000x128xf32, #tpu.memory_space<hbm>>) target(%dma_start3A_111 : memref<128x128xf32, #tpu.memory_space<vmem>>) offsets(%dma_start3A_112 : memref<128xi32, #tpu.memory_space<vmem>>) semaphore(%arg8 : memref<!tpu.dma_semaphore, #tpu.memory_space<semaphore_mem>>)
      %dma_wait3A_116 = arith.constant 0 : i32
      %dma_wait3A_117 = arith.constant 0 : i32
      %dma_wait3A_118 = tpu.memref_slice %arg7[%dma_wait3A_116, %dma_wait3A_117] : memref<384x128xf32, #tpu.memory_space<vmem>> -> memref<128x128xf32, #tpu.memory_space<vmem>>
      %dma_wait3A_119 = tpu.memref_slice %arg5[%add3A_90] : memref<4608xi32, #tpu.memory_space<vmem>> -> memref<128xi32, #tpu.memory_space<vmem>>
      %dma_wait3A_120 = arith.constant 0 : i32
      %dma_wait3A_121 = arith.constant 0 : i32
      %dma_wait3A_122 = tpu.memref_slice %arg2[%dma_wait3A_120, %dma_wait3A_121] : memref<100000x128xf32, #tpu.memory_space<hbm>> -> memref<100000x128xf32, #tpu.memory_space<hbm>>
      tpu.wait_indirect_dma semaphore(%arg8 : memref<!tpu.dma_semaphore, #tpu.memory_space<semaphore_mem>>) src(%dma_wait3A_122 : memref<100000x128xf32, #tpu.memory_space<hbm>>) dst(%dma_wait3A_118 : memref<128x128xf32, #tpu.memory_space<vmem>>)
      %dma_wait3A_123 = arith.constant 128 : i32
      %dma_wait3A_124 = arith.constant 0 : i32
      %dma_wait3A_125 = tpu.memref_slice %arg7[%dma_wait3A_123, %dma_wait3A_124] : memref<384x128xf32, #tpu.memory_space<vmem>> -> memref<128x128xf32, #tpu.memory_space<vmem>>
      %dma_wait3A_126 = tpu.memref_slice %arg5[%add3A_99] : memref<4608xi32, #tpu.memory_space<vmem>> -> memref<128xi32, #tpu.memory_space<vmem>>
      %dma_wait3A_127 = arith.constant 0 : i32
      %dma_wait3A_128 = arith.constant 0 : i32
      %dma_wait3A_129 = tpu.memref_slice %arg2[%dma_wait3A_127, %dma_wait3A_128] : memref<100000x128xf32, #tpu.memory_space<hbm>> -> memref<100000x128xf32, #tpu.memory_space<hbm>>
      tpu.wait_indirect_dma semaphore(%arg8 : memref<!tpu.dma_semaphore, #tpu.memory_space<semaphore_mem>>) src(%dma_wait3A_129 : memref<100000x128xf32, #tpu.memory_space<hbm>>) dst(%dma_wait3A_125 : memref<128x128xf32, #tpu.memory_space<vmem>>)
      %dma_wait3A_130 = arith.constant 256 : i32
      %dma_wait3A_131 = arith.constant 0 : i32
      %dma_wait3A_132 = tpu.memref_slice %arg7[%dma_wait3A_130, %dma_wait3A_131] : memref<384x128xf32, #tpu.memory_space<vmem>> -> memref<128x128xf32, #tpu.memory_space<vmem>>
      %dma_wait3A_133 = tpu.memref_slice %arg5[%add3A_108] : memref<4608xi32, #tpu.memory_space<vmem>> -> memref<128xi32, #tpu.memory_space<vmem>>
      %dma_wait3A_134 = arith.constant 0 : i32
      %dma_wait3A_135 = arith.constant 0 : i32
      %dma_wait3A_136 = tpu.memref_slice %arg2[%dma_wait3A_134, %dma_wait3A_135] : memref<100000x128xf32, #tpu.memory_space<hbm>> -> memref<100000x128xf32, #tpu.memory_space<hbm>>
      tpu.wait_indirect_dma semaphore(%arg8 : memref<!tpu.dma_semaphore, #tpu.memory_space<semaphore_mem>>) src(%dma_wait3A_136 : memref<100000x128xf32, #tpu.memory_space<hbm>>) dst(%dma_wait3A_132 : memref<128x128xf32, #tpu.memory_space<vmem>>)
      %mul3A_137 = arith.constant 2 : i32
      %mul3A_138 = arith.muli %mul3A_137, %scan3A_15 : i32
      %add3A_139 = arith.constant 1 : i32
      %add3A_140 = arith.addi %mul3A_138, %add3A_139 : i32
      %mul3A_141 = arith.constant 384 : i32
      %mul3A_142 = arith.muli %add3A_140, %mul3A_141 : i32
      %add3A_143 = arith.addi %mul3A_2, %mul3A_142 : i32
      %dma_start3A_144 = arith.constant 0 : i32
      %dma_start3A_145 = tpu.memref_slice %arg4[%add3A_143, %dma_start3A_144] : memref<147456x128xf32, #tpu.memory_space<hbm>> -> memref<384x128xf32, #tpu.memory_space<hbm>>
      %dma_start3A_146 = arith.constant 0 : i32
      %dma_start3A_147 = tpu.memref_slice %arg4[%add3A_143, %dma_start3A_146] : memref<147456x128xf32, #tpu.memory_space<hbm>> -> memref<384x128xf32, #tpu.memory_space<hbm>>
      tpu.enqueue_dma source(%arg7 : memref<384x128xf32, #tpu.memory_space<vmem>>) target(%dma_start3A_147 : memref<384x128xf32, #tpu.memory_space<hbm>>) target_semaphore(%arg10 : memref<!tpu.dma_semaphore, #tpu.memory_space<semaphore_mem>>)
    }
    %scan3A_7 = arith.constant 6 : i32
    %dma_wait3A = arith.constant 0 : i32
    %dma_wait3A_8 = tpu.memref_slice %arg4[%mul3A_2, %dma_wait3A] : memref<147456x128xf32, #tpu.memory_space<hbm>> -> memref<384x128xf32, #tpu.memory_space<hbm>>
    %dma_wait3A_9 = arith.constant 0 : i32
    %dma_wait3A_10 = tpu.memref_slice %arg4[%mul3A_2, %dma_wait3A_9] : memref<147456x128xf32, #tpu.memory_space<hbm>> -> memref<384x128xf32, #tpu.memory_space<hbm>>
    tpu.wait_dma2 semaphore(%arg9 : memref<!tpu.dma_semaphore, #tpu.memory_space<semaphore_mem>>) src(%dma_wait3A_10 : memref<384x128xf32, #tpu.memory_space<hbm>>) dst(%arg6 : memref<384x128xf32, #tpu.memory_space<vmem>>)
    %dma_wait3A_11 = arith.constant 0 : i32
    %dma_wait3A_12 = tpu.memref_slice %arg4[%mul3A_2, %dma_wait3A_11] : memref<147456x128xf32, #tpu.memory_space<hbm>> -> memref<384x128xf32, #tpu.memory_space<hbm>>
    %dma_wait3A_13 = arith.constant 0 : i32
    %dma_wait3A_14 = tpu.memref_slice %arg4[%mul3A_2, %dma_wait3A_13] : memref<147456x128xf32, #tpu.memory_space<hbm>> -> memref<384x128xf32, #tpu.memory_space<hbm>>
    tpu.wait_dma2 semaphore(%arg10 : memref<!tpu.dma_semaphore, #tpu.memory_space<semaphore_mem>>) src(%dma_wait3A_14 : memref<384x128xf32, #tpu.memory_space<hbm>>) dst(%arg7 : memref<384x128xf32, #tpu.memory_space<vmem>>)
    return
  }
}

#map = affine_map<(d0, d1) -> (0, 0)>
#map1 = affine_map<(d0, d1) -> (0)>
module attributes {stable_mosaic.version = 14 : i64} {
  func.func @_sc_gather_uu_body(%arg0: i32, %arg1: i32, %arg2: memref<100001x128xf32, #tpu.memory_space<hbm>>, %arg3: memref<100000x128xf32, #tpu.memory_space<hbm>>, %arg4: memref<4096xi32, #tpu.memory_space<hbm>>, %arg5: memref<4096xi32, #tpu.memory_space<hbm>>, %arg6: memref<4096x128xf32, #tpu.memory_space<hbm>>, %arg7: memref<4096x128xf32, #tpu.memory_space<hbm>>, %arg8: memref<128xi32, #tpu.memory_space<vmem>>, %arg9: memref<128xi32, #tpu.memory_space<vmem>>, %arg10: memref<256x128xf32, #tpu.memory_space<vmem>>, %arg11: memref<!tpu.dma_semaphore, #tpu.memory_space<semaphore_mem>>, %arg12: memref<!tpu.dma_semaphore, #tpu.memory_space<semaphore_mem>>) attributes {dimension_semantics = [#tpu.dimension_semantics<core_parallel>, #tpu.dimension_semantics<subcore_parallel>], iteration_bounds = array<i64: 2, 16>, scalar_prefetch = 0 : i64, scratch_operands = 5 : i64, tpu.core_type = #tpu.core_type<sc_vector_subcore>, window_params = [{transform_indices = #map}, {transform_indices = #map}, {transform_indices = #map1}, {transform_indices = #map1}, {transform_indices = #map}, {transform_indices = #map}]} {
    %mul3A = arith.constant 2 : i32
    %mul3A_0 = arith.muli %arg1, %mul3A : i32
    %add3A = arith.addi %mul3A_0, %arg0 : i32
    %mul3A_1 = arith.constant 128 : i32
    %mul3A_2 = arith.muli %add3A, %mul3A_1 : i32
    "tpu.region"() ({
      %run_scoped3A = tpu.sem_alloc : memref<!tpu.dma_semaphore, #tpu.memory_space<semaphore_mem>>
      %dma_start3A_65 = tpu.memref_slice %arg4[%mul3A_2] : memref<4096xi32, #tpu.memory_space<hbm>> -> memref<128xi32, #tpu.memory_space<hbm>>
      %dma_start3A_66 = tpu.memref_slice %arg4[%mul3A_2] : memref<4096xi32, #tpu.memory_space<hbm>> -> memref<128xi32, #tpu.memory_space<hbm>>
      tpu.enqueue_dma source(%dma_start3A_66 : memref<128xi32, #tpu.memory_space<hbm>>) target(%arg8 : memref<128xi32, #tpu.memory_space<vmem>>) target_semaphore(%run_scoped3A : memref<!tpu.dma_semaphore, #tpu.memory_space<semaphore_mem>>)
      %dma_wait3A_67 = tpu.memref_slice %arg4[%mul3A_2] : memref<4096xi32, #tpu.memory_space<hbm>> -> memref<128xi32, #tpu.memory_space<hbm>>
      %dma_wait3A_68 = tpu.memref_slice %arg4[%mul3A_2] : memref<4096xi32, #tpu.memory_space<hbm>> -> memref<128xi32, #tpu.memory_space<hbm>>
      tpu.wait_dma2 semaphore(%run_scoped3A : memref<!tpu.dma_semaphore, #tpu.memory_space<semaphore_mem>>) src(%dma_wait3A_68 : memref<128xi32, #tpu.memory_space<hbm>>) dst(%arg8 : memref<128xi32, #tpu.memory_space<vmem>>)
      tpu.yield
    }) : () -> ()
    "tpu.region"() ({
      %run_scoped3A = tpu.sem_alloc : memref<!tpu.dma_semaphore, #tpu.memory_space<semaphore_mem>>
      %dma_start3A_65 = tpu.memref_slice %arg5[%mul3A_2] : memref<4096xi32, #tpu.memory_space<hbm>> -> memref<128xi32, #tpu.memory_space<hbm>>
      %dma_start3A_66 = tpu.memref_slice %arg5[%mul3A_2] : memref<4096xi32, #tpu.memory_space<hbm>> -> memref<128xi32, #tpu.memory_space<hbm>>
      tpu.enqueue_dma source(%dma_start3A_66 : memref<128xi32, #tpu.memory_space<hbm>>) target(%arg9 : memref<128xi32, #tpu.memory_space<vmem>>) target_semaphore(%run_scoped3A : memref<!tpu.dma_semaphore, #tpu.memory_space<semaphore_mem>>)
      %dma_wait3A_67 = tpu.memref_slice %arg5[%mul3A_2] : memref<4096xi32, #tpu.memory_space<hbm>> -> memref<128xi32, #tpu.memory_space<hbm>>
      %dma_wait3A_68 = tpu.memref_slice %arg5[%mul3A_2] : memref<4096xi32, #tpu.memory_space<hbm>> -> memref<128xi32, #tpu.memory_space<hbm>>
      tpu.wait_dma2 semaphore(%run_scoped3A : memref<!tpu.dma_semaphore, #tpu.memory_space<semaphore_mem>>) src(%dma_wait3A_68 : memref<128xi32, #tpu.memory_space<hbm>>) dst(%arg9 : memref<128xi32, #tpu.memory_space<vmem>>)
      tpu.yield
    }) : () -> ()
    %dma_start3A = arith.constant 0 : i32
    %dma_start3A_3 = arith.constant 0 : i32
    %dma_start3A_4 = tpu.memref_slice %arg10[%dma_start3A, %dma_start3A_3] : memref<256x128xf32, #tpu.memory_space<vmem>> -> memref<128x128xf32, #tpu.memory_space<vmem>>
    %dma_start3A_5 = arith.constant 0 : i32
    %dma_start3A_6 = arith.constant 0 : i32
    %dma_start3A_7 = tpu.memref_slice %arg2[%dma_start3A_5, %dma_start3A_6] : memref<100001x128xf32, #tpu.memory_space<hbm>> -> memref<100001x128xf32, #tpu.memory_space<hbm>>
    tpu.enqueue_indirect_dma source(%dma_start3A_7 : memref<100001x128xf32, #tpu.memory_space<hbm>>) target(%dma_start3A_4 : memref<128x128xf32, #tpu.memory_space<vmem>>) offsets(%arg8 : memref<128xi32, #tpu.memory_space<vmem>>) semaphore(%arg11 : memref<!tpu.dma_semaphore, #tpu.memory_space<semaphore_mem>>)
    %dma_start3A_8 = arith.constant 128 : i32
    %dma_start3A_9 = arith.constant 0 : i32
    %dma_start3A_10 = tpu.memref_slice %arg10[%dma_start3A_8, %dma_start3A_9] : memref<256x128xf32, #tpu.memory_space<vmem>> -> memref<128x128xf32, #tpu.memory_space<vmem>>
    %dma_start3A_11 = arith.constant 0 : i32
    %dma_start3A_12 = arith.constant 0 : i32
    %dma_start3A_13 = tpu.memref_slice %arg3[%dma_start3A_11, %dma_start3A_12] : memref<100000x128xf32, #tpu.memory_space<hbm>> -> memref<100000x128xf32, #tpu.memory_space<hbm>>
    tpu.enqueue_indirect_dma source(%dma_start3A_13 : memref<100000x128xf32, #tpu.memory_space<hbm>>) target(%dma_start3A_10 : memref<128x128xf32, #tpu.memory_space<vmem>>) offsets(%arg9 : memref<128xi32, #tpu.memory_space<vmem>>) semaphore(%arg11 : memref<!tpu.dma_semaphore, #tpu.memory_space<semaphore_mem>>)
    %dma_wait3A = arith.constant 0 : i32
    %dma_wait3A_14 = arith.constant 0 : i32
    %dma_wait3A_15 = tpu.memref_slice %arg10[%dma_wait3A, %dma_wait3A_14] : memref<256x128xf32, #tpu.memory_space<vmem>> -> memref<128x128xf32, #tpu.memory_space<vmem>>
    %dma_wait3A_16 = arith.constant 0 : i32
    %dma_wait3A_17 = arith.constant 0 : i32
    %dma_wait3A_18 = tpu.memref_slice %arg2[%dma_wait3A_16, %dma_wait3A_17] : memref<100001x128xf32, #tpu.memory_space<hbm>> -> memref<100001x128xf32, #tpu.memory_space<hbm>>
    tpu.wait_indirect_dma semaphore(%arg11 : memref<!tpu.dma_semaphore, #tpu.memory_space<semaphore_mem>>) src(%dma_wait3A_18 : memref<100001x128xf32, #tpu.memory_space<hbm>>) dst(%dma_wait3A_15 : memref<128x128xf32, #tpu.memory_space<vmem>>)
    %dma_wait3A_19 = arith.constant 128 : i32
    %dma_wait3A_20 = arith.constant 0 : i32
    %dma_wait3A_21 = tpu.memref_slice %arg10[%dma_wait3A_19, %dma_wait3A_20] : memref<256x128xf32, #tpu.memory_space<vmem>> -> memref<128x128xf32, #tpu.memory_space<vmem>>
    %dma_wait3A_22 = arith.constant 0 : i32
    %dma_wait3A_23 = arith.constant 0 : i32
    %dma_wait3A_24 = tpu.memref_slice %arg3[%dma_wait3A_22, %dma_wait3A_23] : memref<100000x128xf32, #tpu.memory_space<hbm>> -> memref<100000x128xf32, #tpu.memory_space<hbm>>
    tpu.wait_indirect_dma semaphore(%arg11 : memref<!tpu.dma_semaphore, #tpu.memory_space<semaphore_mem>>) src(%dma_wait3A_24 : memref<100000x128xf32, #tpu.memory_space<hbm>>) dst(%dma_wait3A_21 : memref<128x128xf32, #tpu.memory_space<vmem>>)
    %dma_start3A_25 = arith.constant 0 : i32
    %dma_start3A_26 = arith.constant 0 : i32
    %dma_start3A_27 = tpu.memref_slice %arg10[%dma_start3A_25, %dma_start3A_26] : memref<256x128xf32, #tpu.memory_space<vmem>> -> memref<128x128xf32, #tpu.memory_space<vmem>>
    %dma_start3A_28 = arith.constant 0 : i32
    %dma_start3A_29 = tpu.memref_slice %arg6[%mul3A_2, %dma_start3A_28] : memref<4096x128xf32, #tpu.memory_space<hbm>> -> memref<128x128xf32, #tpu.memory_space<hbm>>
    %dma_start3A_30 = arith.constant 0 : i32
    %dma_start3A_31 = tpu.memref_slice %arg6[%mul3A_2, %dma_start3A_30] : memref<4096x128xf32, #tpu.memory_space<hbm>> -> memref<128x128xf32, #tpu.memory_space<hbm>>
    %dma_start3A_32 = arith.constant 0 : i32
    %dma_start3A_33 = arith.constant 0 : i32
    %dma_start3A_34 = tpu.memref_slice %arg10[%dma_start3A_32, %dma_start3A_33] : memref<256x128xf32, #tpu.memory_space<vmem>> -> memref<128x128xf32, #tpu.memory_space<vmem>>
    tpu.enqueue_dma source(%dma_start3A_34 : memref<128x128xf32, #tpu.memory_space<vmem>>) target(%dma_start3A_31 : memref<128x128xf32, #tpu.memory_space<hbm>>) target_semaphore(%arg12 : memref<!tpu.dma_semaphore, #tpu.memory_space<semaphore_mem>>)
    %dma_start3A_35 = arith.constant 128 : i32
    %dma_start3A_36 = arith.constant 0 : i32
    %dma_start3A_37 = tpu.memref_slice %arg10[%dma_start3A_35, %dma_start3A_36] : memref<256x128xf32, #tpu.memory_space<vmem>> -> memref<128x128xf32, #tpu.memory_space<vmem>>
    %dma_start3A_38 = arith.constant 0 : i32
    %dma_start3A_39 = tpu.memref_slice %arg7[%mul3A_2, %dma_start3A_38] : memref<4096x128xf32, #tpu.memory_space<hbm>> -> memref<128x128xf32, #tpu.memory_space<hbm>>
    %dma_start3A_40 = arith.constant 0 : i32
    %dma_start3A_41 = tpu.memref_slice %arg7[%mul3A_2, %dma_start3A_40] : memref<4096x128xf32, #tpu.memory_space<hbm>> -> memref<128x128xf32, #tpu.memory_space<hbm>>
    %dma_start3A_42 = arith.constant 128 : i32
    %dma_start3A_43 = arith.constant 0 : i32
    %dma_start3A_44 = tpu.memref_slice %arg10[%dma_start3A_42, %dma_start3A_43] : memref<256x128xf32, #tpu.memory_space<vmem>> -> memref<128x128xf32, #tpu.memory_space<vmem>>
    tpu.enqueue_dma source(%dma_start3A_44 : memref<128x128xf32, #tpu.memory_space<vmem>>) target(%dma_start3A_41 : memref<128x128xf32, #tpu.memory_space<hbm>>) target_semaphore(%arg12 : memref<!tpu.dma_semaphore, #tpu.memory_space<semaphore_mem>>)
    %dma_wait3A_45 = arith.constant 0 : i32
    %dma_wait3A_46 = arith.constant 0 : i32
    %dma_wait3A_47 = tpu.memref_slice %arg10[%dma_wait3A_45, %dma_wait3A_46] : memref<256x128xf32, #tpu.memory_space<vmem>> -> memref<128x128xf32, #tpu.memory_space<vmem>>
    %dma_wait3A_48 = arith.constant 0 : i32
    %dma_wait3A_49 = tpu.memref_slice %arg6[%mul3A_2, %dma_wait3A_48] : memref<4096x128xf32, #tpu.memory_space<hbm>> -> memref<128x128xf32, #tpu.memory_space<hbm>>
    %dma_wait3A_50 = arith.constant 0 : i32
    %dma_wait3A_51 = tpu.memref_slice %arg6[%mul3A_2, %dma_wait3A_50] : memref<4096x128xf32, #tpu.memory_space<hbm>> -> memref<128x128xf32, #tpu.memory_space<hbm>>
    %dma_wait3A_52 = arith.constant 0 : i32
    %dma_wait3A_53 = arith.constant 0 : i32
    %dma_wait3A_54 = tpu.memref_slice %arg10[%dma_wait3A_52, %dma_wait3A_53] : memref<256x128xf32, #tpu.memory_space<vmem>> -> memref<128x128xf32, #tpu.memory_space<vmem>>
    tpu.wait_dma2 semaphore(%arg12 : memref<!tpu.dma_semaphore, #tpu.memory_space<semaphore_mem>>) src(%dma_wait3A_54 : memref<128x128xf32, #tpu.memory_space<vmem>>) dst(%dma_wait3A_51 : memref<128x128xf32, #tpu.memory_space<hbm>>)
    %dma_wait3A_55 = arith.constant 128 : i32
    %dma_wait3A_56 = arith.constant 0 : i32
    %dma_wait3A_57 = tpu.memref_slice %arg10[%dma_wait3A_55, %dma_wait3A_56] : memref<256x128xf32, #tpu.memory_space<vmem>> -> memref<128x128xf32, #tpu.memory_space<vmem>>
    %dma_wait3A_58 = arith.constant 0 : i32
    %dma_wait3A_59 = tpu.memref_slice %arg7[%mul3A_2, %dma_wait3A_58] : memref<4096x128xf32, #tpu.memory_space<hbm>> -> memref<128x128xf32, #tpu.memory_space<hbm>>
    %dma_wait3A_60 = arith.constant 0 : i32
    %dma_wait3A_61 = tpu.memref_slice %arg7[%mul3A_2, %dma_wait3A_60] : memref<4096x128xf32, #tpu.memory_space<hbm>> -> memref<128x128xf32, #tpu.memory_space<hbm>>
    %dma_wait3A_62 = arith.constant 128 : i32
    %dma_wait3A_63 = arith.constant 0 : i32
    %dma_wait3A_64 = tpu.memref_slice %arg10[%dma_wait3A_62, %dma_wait3A_63] : memref<256x128xf32, #tpu.memory_space<vmem>> -> memref<128x128xf32, #tpu.memory_space<vmem>>
    tpu.wait_dma2 semaphore(%arg12 : memref<!tpu.dma_semaphore, #tpu.memory_space<semaphore_mem>>) src(%dma_wait3A_64 : memref<128x128xf32, #tpu.memory_space<vmem>>) dst(%dma_wait3A_61 : memref<128x128xf32, #tpu.memory_space<hbm>>)
    return
  }
}

module attributes {stable_mosaic.version = 14 : i64} {
  func.func @_pad_body(%arg0: i32, %arg1: memref<4000x64xf32, #tpu.memory_space<vmem>>, %arg2: memref<4000x128xf32, #tpu.memory_space<vmem>>) attributes {dimension_semantics = [#tpu.dimension_semantics<arbitrary>], iteration_bounds = array<i64: 26>, scalar_prefetch = 0 : i64, scratch_operands = 0 : i64, tpu.core_type = #tpu.core_type<tc>, window_params = [{transform_indices = @transform_0, window_bounds = array<i64: 4000, 64>}, {transform_indices = @transform_1, window_bounds = array<i64: 4000, 128>}]} {
    %get3A = arith.constant 0 : index
    %get3A_0 = arith.constant 0 : index
    %get3A_1 = vector.load %arg1[%get3A, %get3A_0] : memref<4000x64xf32, #tpu.memory_space<vmem>>, vector<4000x64xf32>
    %broadcast_in_dim3A = arith.constant 0.000000e+00 : f32
    %broadcast_in_dim3A_2 = vector.broadcast %broadcast_in_dim3A : f32 to vector<4000x64xf32>
    %concatenate3A = tpu.concatenate %get3A_1, %broadcast_in_dim3A_2 in 1 : vector<4000x64xf32>, vector<4000x64xf32> -> vector<4000x128xf32>
    %swap3A = arith.constant 0 : index
    %swap3A_3 = arith.constant 0 : index
    %swap3A_4 = vector.load %arg2[%swap3A, %swap3A_3] : memref<4000x128xf32, #tpu.memory_space<vmem>>, vector<4000x128xf32>
    tpu.vector_store %arg2[%swap3A, %swap3A_3], %concatenate3A {strides = array<i32>} : memref<4000x128xf32, #tpu.memory_space<vmem>>, vector<4000x128xf32>,
    return
  }
  func.func @transform_0(%arg0: i32) -> (i32, i32) {
    %c0_i32 = arith.constant 0 : i32
    %c0_i32_0 = arith.constant 0 : i32
    return %arg0, %c0_i32 : i32, i32
  }
  func.func @transform_1(%arg0: i32) -> (i32, i32) {
    %c0_i32 = arith.constant 0 : i32
    %c0_i32_0 = arith.constant 0 : i32
    return %arg0, %c0_i32 : i32, i32
  }
}

module attributes {stable_mosaic.version = 14 : i64} {
  func.func @_pad_body(%arg0: i32, %arg1: memref<4000x80xf32, #tpu.memory_space<vmem>>, %arg2: memref<4000x128xf32, #tpu.memory_space<vmem>>) attributes {dimension_semantics = [#tpu.dimension_semantics<arbitrary>], iteration_bounds = array<i64: 25>, scalar_prefetch = 0 : i64, scratch_operands = 0 : i64, tpu.core_type = #tpu.core_type<tc>, window_params = [{transform_indices = @transform_0, window_bounds = array<i64: 4000, 80>}, {transform_indices = @transform_1, window_bounds = array<i64: 4000, 128>}]} {
    %get3A = arith.constant 0 : index
    %get3A_0 = arith.constant 0 : index
    %get3A_1 = vector.load %arg1[%get3A, %get3A_0] : memref<4000x80xf32, #tpu.memory_space<vmem>>, vector<4000x80xf32>
    %broadcast_in_dim3A = arith.constant 0.000000e+00 : f32
    %broadcast_in_dim3A_2 = vector.broadcast %broadcast_in_dim3A : f32 to vector<4000x48xf32>
    %concatenate3A = tpu.concatenate %get3A_1, %broadcast_in_dim3A_2 in 1 : vector<4000x80xf32>, vector<4000x48xf32> -> vector<4000x128xf32>
    %swap3A = arith.constant 0 : index
    %swap3A_3 = arith.constant 0 : index
    %swap3A_4 = vector.load %arg2[%swap3A, %swap3A_3] : memref<4000x128xf32, #tpu.memory_space<vmem>>, vector<4000x128xf32>
    tpu.vector_store %arg2[%swap3A, %swap3A_3], %concatenate3A {strides = array<i32>} : memref<4000x128xf32, #tpu.memory_space<vmem>>, vector<4000x128xf32>,
    return
  }
  func.func @transform_0(%arg0: i32) -> (i32, i32) {
    %c0_i32 = arith.constant 0 : i32
    %c0_i32_0 = arith.constant 0 : i32
    return %arg0, %c0_i32 : i32, i32
  }
  func.func @transform_1(%arg0: i32) -> (i32, i32) {
    %c0_i32 = arith.constant 0 : i32
    %c0_i32_0 = arith.constant 0 : i32
    return %arg0, %c0_i32 : i32, i32
  }
}

module attributes {stable_mosaic.version = 14 : i64} {
  func.func @_tc_score_body(%arg0: i32, %arg1: memref<256x72x128xf32, #tpu.memory_space<vmem>>, %arg2: memref<256x128xf32, #tpu.memory_space<vmem>>, %arg3: memref<256x128xf32, #tpu.memory_space<vmem>>, %arg4: memref<256x1xi32, #tpu.memory_space<vmem>>, %arg5: memref<2x16xf32, #tpu.memory_space<vmem>>, %arg6: memref<1x1xf32, #tpu.memory_space<vmem>>) attributes {dimension_semantics = [#tpu.dimension_semantics<arbitrary>], iteration_bounds = array<i64: 8>, scalar_prefetch = 0 : i64, scratch_operands = 0 : i64, tpu.core_type = #tpu.core_type<tc>, window_params = [{transform_indices = @transform_0, window_bounds = array<i64: 256, 72, 128>}, {transform_indices = @transform_1, window_bounds = array<i64: 256, 128>}, {transform_indices = @transform_2, window_bounds = array<i64: 256, 128>}, {transform_indices = @transform_3, window_bounds = array<i64: 256, 1>}, {pipeline_mode = #tpu.pipeline_mode<synchronous>, transform_indices = @transform_4, window_bounds = array<i64: 2, 16>}, {pipeline_mode = #tpu.pipeline_mode<synchronous>, transform_indices = @transform_5, window_bounds = array<i64: 1, 1>}]} {
    %get3A = arith.constant 0 : index
    %get3A_0 = arith.constant 0 : index
    %get3A_1 = vector.load %arg2[%get3A, %get3A_0] : memref<256x128xf32, #tpu.memory_space<vmem>>, vector<256x128xf32>
    %get3A_2 = arith.constant 0 : index
    %get3A_3 = arith.constant 0 : index
    %get3A_4 = vector.load %arg5[%get3A_2, %get3A_3] : memref<2x16xf32, #tpu.memory_space<vmem>>, vector<2x16xf32>
    %get3A_5 = arith.constant 0 : index
    %get3A_6 = arith.constant 0 : index
    %get3A_7 = vector.load %arg4[%get3A_5, %get3A_6] : memref<256x1xi32, #tpu.memory_space<vmem>>, vector<256x1xi32>
    %eq3A = arith.constant 0 : i32
    %eq3A_8 = vector.broadcast %eq3A : i32 to vector<256x1xi32>
    %eq3A_9 = arith.cmpi eq, %get3A_7, %eq3A_8 : vector<256x1xi32>
    %slice3A = vector.extract_strided_slice %get3A_4 {offsets = [0, 0], sizes = [1, 16], strides = [1, 1]} : vector<2x16xf32> to vector<1x16xf32>
    %slice3A_10 = vector.extract_strided_slice %get3A_4 {offsets = [1, 0], sizes = [1, 16], strides = [1, 1]} : vector<2x16xf32> to vector<1x16xf32>
    %broadcast_in_dim3A = vector.shape_cast %eq3A_9 : vector<256x1xi1> to vector<256x1xi1>
    %broadcast_in_dim3A_11 = vector.broadcast %broadcast_in_dim3A : vector<256x1xi1> to vector<256x16xi1>
    %broadcast_in_dim3A_12 = vector.shape_cast %slice3A : vector<1x16xf32> to vector<1x16xf32>
    %broadcast_in_dim3A_13 = vector.broadcast %broadcast_in_dim3A_12 : vector<1x16xf32> to vector<256x16xf32>
    %broadcast_in_dim3A_14 = vector.shape_cast %slice3A_10 : vector<1x16xf32> to vector<1x16xf32>
    %broadcast_in_dim3A_15 = vector.broadcast %broadcast_in_dim3A_14 : vector<1x16xf32> to vector<256x16xf32>
    %select_n3A = arith.select %broadcast_in_dim3A_11, %broadcast_in_dim3A_13, %broadcast_in_dim3A_15 : vector<256x16xi1>, vector<256x16xf32>
    %broadcast_in_dim3A_16 = arith.constant 0.000000e+00 : f32
    %broadcast_in_dim3A_17 = vector.broadcast %broadcast_in_dim3A_16 : f32 to vector<256x64xf32>
    %broadcast_in_dim3A_18 = arith.constant 0.000000e+00 : f32
    %broadcast_in_dim3A_19 = vector.broadcast %broadcast_in_dim3A_18 : f32 to vector<256x48xf32>
    %concatenate3A = tpu.concatenate %broadcast_in_dim3A_17, %select_n3A, %broadcast_in_dim3A_19 in 1 : vector<256x64xf32>, vector<256x16xf32>, vector<256x48xf32> -> vector<256x128xf32>
    %add3A = arith.addf %get3A_1, %concatenate3A : vector<256x128xf32>
    %get3A_20 = arith.constant 0 : index
    %get3A_21 = arith.constant 0 : index
    %get3A_22 = vector.load %arg3[%get3A_20, %get3A_21] : memref<256x128xf32, #tpu.memory_space<vmem>>, vector<256x128xf32>
    %mul3A = arith.mulf %add3A, %get3A_22 : vector<256x128xf32>
    %reduce_sum3A = arith.constant dense<0.000000e+00> : vector<256xf32>
    %reduce_sum3A_23 = vector.multi_reduction <add>, %mul3A, %reduce_sum3A [1] : vector<256x128xf32> to vector<256xf32>
    %broadcast_in_dim3A_24 = vector.shape_cast %reduce_sum3A_23 : vector<256xf32> to vector<256x1xf32>
    %get3A_25 = arith.constant 0 : index
    %get3A_26 = arith.constant 0 : index
    %get3A_27 = arith.constant 0 : index
    %get3A_28 = vector.load %arg1[%get3A_25, %get3A_26, %get3A_27] : memref<256x72x128xf32, #tpu.memory_space<vmem>>, vector<256x72x128xf32>
    %iota3A = tpu.iota {dimensions = array<i32: 1>} : vector<256x72x1xi32>
    %lt3A = arith.constant 30 : i32
    %lt3A_29 = vector.broadcast %lt3A : i32 to vector<256x72x1xi32>
    %lt3A_30 = arith.cmpi slt, %iota3A, %lt3A_29 : vector<256x72x1xi32>
    %broadcast_in_dim3A_31 = vector.shape_cast %add3A : vector<256x128xf32> to vector<256x1x128xf32>
    %broadcast_in_dim3A_32 = vector.shape_cast %get3A_22 : vector<256x128xf32> to vector<256x1x128xf32>
    %broadcast_in_dim3A_33 = vector.shape_cast %lt3A_30 : vector<256x72x1xi1> to vector<256x72x1xi1>
    %broadcast_in_dim3A_34 = vector.broadcast %broadcast_in_dim3A_33 : vector<256x72x1xi1> to vector<256x72x128xi1>
    %broadcast_in_dim3A_35 = vector.shape_cast %broadcast_in_dim3A_31 : vector<256x1x128xf32> to vector<256x1x128xf32>
    %broadcast_in_dim3A_36 = vector.broadcast %broadcast_in_dim3A_35 : vector<256x1x128xf32> to vector<256x72x128xf32>
    %broadcast_in_dim3A_37 = vector.shape_cast %broadcast_in_dim3A_32 : vector<256x1x128xf32> to vector<256x1x128xf32>
    %broadcast_in_dim3A_38 = vector.broadcast %broadcast_in_dim3A_37 : vector<256x1x128xf32> to vector<256x72x128xf32>
    %select_n3A_39 = arith.select %broadcast_in_dim3A_34, %broadcast_in_dim3A_36, %broadcast_in_dim3A_38 : vector<256x72x128xi1>, vector<256x72x128xf32>
    %mul3A_40 = arith.mulf %get3A_28, %select_n3A_39 : vector<256x72x128xf32>
    %reduce_sum3A_41 = arith.constant dense<0.000000e+00> : vector<256x72xf32>
    %reduce_sum3A_42 = vector.multi_reduction <add>, %mul3A_40, %reduce_sum3A_41 [2] : vector<256x72x128xf32> to vector<256x72xf32>
    %iota3A_43 = tpu.iota {dimensions = array<i32: 1>} : vector<256x72xi32>
    %lt3A_44 = arith.constant 10 : i32
    %lt3A_45 = vector.broadcast %lt3A_44 : i32 to vector<256x72xi32>
    %lt3A_46 = arith.cmpi slt, %iota3A_43, %lt3A_45 : vector<256x72xi32>
    %lt3A_47 = arith.constant 30 : i32
    %lt3A_48 = vector.broadcast %lt3A_47 : i32 to vector<256x72xi32>
    %lt3A_49 = arith.cmpi slt, %iota3A_43, %lt3A_48 : vector<256x72xi32>
    %neg3A = arith.constant 0.000000e+00 : f32
    %neg3A_50 = vector.broadcast %neg3A : f32 to vector<256x72xf32>
    %neg3A_51 = arith.subf %neg3A_50, %reduce_sum3A_42 : vector<256x72xf32>
    %sub3A = vector.broadcast %broadcast_in_dim3A_24 : vector<256x1xf32> to vector<256x72xf32>
    %sub3A_52 = arith.subf %sub3A, %reduce_sum3A_42 : vector<256x72xf32>
    %select_n3A_53 = arith.select %lt3A_49, %neg3A_51, %sub3A_52 : vector<256x72xi1>, vector<256x72xf32>
    %select_n3A_54 = arith.select %lt3A_46, %reduce_sum3A_42, %select_n3A_53 : vector<256x72xi1>, vector<256x72xf32>
    %lt3A_55 = arith.constant 30 : i32
    %lt3A_56 = vector.broadcast %lt3A_55 : i32 to vector<256x72xi32>
    %lt3A_57 = arith.cmpi slt, %iota3A_43, %lt3A_56 : vector<256x72xi32>
    %lt3A_58 = arith.constant 70 : i32
    %lt3A_59 = vector.broadcast %lt3A_58 : i32 to vector<256x72xi32>
    %lt3A_60 = arith.cmpi slt, %iota3A_43, %lt3A_59 : vector<256x72xi32>
    %jit3A = arith.constant 2.000000e+00 : f32
    %jit3A_61 = arith.constant 0.000000e+00 : f32
    %broadcast_in_dim3A_62 = vector.broadcast %jit3A : f32 to vector<256x72xf32>
    %broadcast_in_dim3A_63 = vector.broadcast %jit3A_61 : f32 to vector<256x72xf32>
    %select_n3A_64 = arith.select %lt3A_60, %broadcast_in_dim3A_62, %broadcast_in_dim3A_63 : vector<256x72xi1>, vector<256x72xf32>
    %jit3A_65 = arith.constant 1.000000e+00 : f32
    %broadcast_in_dim3A_66 = vector.broadcast %jit3A_65 : f32 to vector<256x72xf32>
    %select_n3A_67 = arith.select %lt3A_57, %broadcast_in_dim3A_66, %select_n3A_64 : vector<256x72xi1>, vector<256x72xf32>
    %min3A = arith.constant 0.000000e+00 : f32
    %min3A_68 = vector.broadcast %min3A : f32 to vector<256x72xf32>
    %min3A_69 = arith.minimumf %select_n3A_54, %min3A_68 : vector<256x72xf32>
    %abs3A = math.absf %select_n3A_54 : vector<256x72xf32>
    %neg3A_70 = arith.constant 0.000000e+00 : f32
    %neg3A_71 = vector.broadcast %neg3A_70 : f32 to vector<256x72xf32>
    %neg3A_72 = arith.subf %neg3A_71, %abs3A : vector<256x72xf32>
    %exp3A = math.exp %neg3A_72 : vector<256x72xf32>
    %log1p3A = math.log1p %exp3A : vector<256x72xf32>
    %sub3A_73 = arith.subf %min3A_69, %log1p3A : vector<256x72xf32>
    %mul3A_74 = arith.mulf %select_n3A_67, %sub3A_73 : vector<256x72xf32>
    %reduce_sum3A_75 = vector.shape_cast %mul3A_74 : vector<256x72xf32> to vector<1x256x72xf32>
    %reduce_sum3A_76 = arith.constant dense<0.000000e+00> : vector<1xf32>
    %reduce_sum3A_77 = vector.multi_reduction <add>, %reduce_sum3A_75, %reduce_sum3A_76 [1, 2] : vector<1x256x72xf32> to vector<1xf32>
    %reduce_sum3A_78 = vector.shape_cast %reduce_sum3A_77 : vector<1xf32> to vector<1x1x1xf32>
    %reduce_sum3A_79 = vector.extract %reduce_sum3A_78[0, 0, 0] : f32 from vector<1x1x1xf32>
    %eq3A_80 = arith.constant 0 : i32
    %eq3A_81 = arith.cmpi eq, %arg0, %eq3A_80 : i32
    %convert_element_type3A = arith.extui %eq3A_81 : i1 to i32
    %cond3A = arith.constant 0 : i32
    %cond3A_82 = arith.cmpi ne, %convert_element_type3A, %cond3A : i32
    scf.if %cond3A_82 {
      %broadcast_in_dim3A_90 = arith.constant 0.000000e+00 : f32
      %broadcast_in_dim3A_91 = vector.broadcast %broadcast_in_dim3A_90 : f32 to vector<1x1xf32>
      %swap3A_92 = arith.constant 0 : index
      %swap3A_93 = arith.constant 0 : index
      %swap3A_94 = vector.load %arg6[%swap3A_92, %swap3A_93] : memref<1x1xf32, #tpu.memory_space<vmem>>, vector<1x1xf32>
      tpu.vector_store %arg6[%swap3A_92, %swap3A_93], %broadcast_in_dim3A_91 {strides = array<i32>} : memref<1x1xf32, #tpu.memory_space<vmem>>, vector<1x1xf32>,
    } else {
    }
    %get3A_83 = arith.constant 0 : index
    %get3A_84 = arith.constant 0 : index
    %get3A_85 = vector.load %arg6[%get3A_83, %get3A_84] : memref<1x1xf32, #tpu.memory_space<vmem>>, vector<1x1xf32>
    %sub3A_86 = vector.broadcast %reduce_sum3A_79 : f32 to vector<1x1xf32>
    %sub3A_87 = arith.subf %get3A_85, %sub3A_86 : vector<1x1xf32>
    %swap3A = arith.constant 0 : index
    %swap3A_88 = arith.constant 0 : index
    %swap3A_89 = vector.load %arg6[%swap3A, %swap3A_88] : memref<1x1xf32, #tpu.memory_space<vmem>>, vector<1x1xf32>
    tpu.vector_store %arg6[%swap3A, %swap3A_88], %sub3A_87 {strides = array<i32>} : memref<1x1xf32, #tpu.memory_space<vmem>>, vector<1x1xf32>,
    return
  }
  func.func @transform_0(%arg0: i32) -> (i32, i32, i32) {
    %c0_i32 = arith.constant 0 : i32
    %c0_i32_0 = arith.constant 0 : i32
    %c0_i32_1 = arith.constant 0 : i32
    return %arg0, %c0_i32, %c0_i32_0 : i32, i32, i32
  }
  func.func @transform_1(%arg0: i32) -> (i32, i32) {
    %c0_i32 = arith.constant 0 : i32
    %c0_i32_0 = arith.constant 0 : i32
    return %arg0, %c0_i32 : i32, i32
  }
  func.func @transform_2(%arg0: i32) -> (i32, i32) {
    %c0_i32 = arith.constant 0 : i32
    %c0_i32_0 = arith.constant 0 : i32
    return %arg0, %c0_i32 : i32, i32
  }
  func.func @transform_3(%arg0: i32) -> (i32, i32) {
    %c0_i32 = arith.constant 0 : i32
    %c0_i32_0 = arith.constant 0 : i32
    return %arg0, %c0_i32 : i32, i32
  }
  func.func @transform_4(%arg0: i32) -> (i32, i32) {
    %c0_i32 = arith.constant 0 : i32
    %c0_i32_0 = arith.constant 0 : i32
    %c0_i32_1 = arith.constant 0 : i32
    return %c0_i32, %c0_i32_0 : i32, i32
  }
  func.func @transform_5(%arg0: i32) -> (i32, i32) {
    %c0_i32 = arith.constant 0 : i32
    %c0_i32_0 = arith.constant 0 : i32
    %c0_i32_1 = arith.constant 0 : i32
    return %c0_i32, %c0_i32_0 : i32, i32
  }
}

</mosaic_0001>

<sc_bundles>
// kernel: kernel.10.cloned.1.call-start
scs
__scs_entry_jumppad:
0x0: {  	(pc) =	sbr.rel $0x88, $3  }
0x1: {  	(tag) =	ssettag $0x0;
	lr =	simm.s32 $0x1  }
0x2: {  	[smem:$0x3F96] =	sst lr;
	_ =	strace $0xD0000000  }
0x3: {  	_ = 	snop  }
0x4: {  	_ = 	snop  }
0x5: {  	_ = 	snop  }
0x6: {  	_ = 	snop  }
0x7: {  	_ = 	snop  }
__scs_overlays_trampoline_lowered:
0x8: {  	[smem:$0x3FA5] =	sst s0  }
0x9: {  	[smem:$0x3FA6] =	sst s1  }
0xa: {  	[smem:$0x3FA7] =	sst s2  }
0xb: {  	[smem:$0x3FA8] =	sst s3  }
0xc: {  	[smem:$0x3FA9] =	sst s4  }
0xd: {  	[smem:$0x3FAA] =	sst s5  }
0xe: {  	[smem:$0x3FAB] =	sst s6  }
0xf: {  	[smem:$0x3FAC] =	sst s7  }
0x10: {  	[smem:$0x3FAD] =	sst s8  }
0x11: {  	[smem:$0x3FAE] =	sst s9;
	s0 =	simm.s32 @!p0 $0x0  }
0x12: {  	s1 =	sld [smem:$0x3F94];
	s0 =	simm.s32 @p0 $0x1  }
0x13: {  	[smem:$0x3FAF] =	sst s0;
	s0 =	simm.s32 @!p1 $0x0  }
0x14: {  	s2 =	sld [smem:$0x3F93];
	s0 =	simm.s32 @p1 $0x1  }
0x15: {  	[smem:$0x3FB0] =	sst s0;
	s0 =	simm.s32 @!p2 $0x0  }
0x16: {  	s3 =	sld [smem:$0x3FDB];
	s0 =	simm.s32 @p2 $0x1  }
0x17: {  	s4 =	simm.s32 $0x1BF5;
	[smem:$0x3FB2] =	sst s0  }
0x18: {  	s0 =	sld [smem:$0x3F95];
	_ =	swait.ge [sflag:s4], $0x0  }
0x19: {  	s7 =	sld [smem:$0x3F96]  }
0x1a: {  	s8 =	sadd.s32 $0xFFFFE003, lr  }
0x1b: {  	s9 =	sadd.s32 $0xFFFFFEF7, lr;
	s5 =	simm.s32 $0xFFFFFFFF;
	p2 =	slt.u32 s8, $0xFFFFF086  }
0x1c: {  	p1 =	slt.u32 s9, $0xF7A;
	s5 =	simm.s32 @!p2 $0x0  }
0x1d: {  	s5 =	simm.s32 @p1 $0x1;
	p0 =	seq.s32 s7, s2  }
0x1e: {  	s7 =	smul.u32 @!p0 $0xF7A, s2;
	p2 =	seq.s32 @!p0 s5, $0x0  }
0x1f: {  	s9 =	smul.u32 $0xF7A, s1;
	s8 =	simm.s32 @!p0 $0x1BF5;
	p2 =	por !p2, p0  }
0x20: {  	[sflag:s8] =	ssyncset.s32 @!p0 $0xFFFFF086;
	s6 =	sadd.s32 @!p0 s3, s7;
	s7 =	simm.s32 @!p0 $0x108  }
0x21: {  	s3 =	sadd.s32 s3, s9;
	s6 =	sadd.s32 @!p0 $0x88, s6;
	s7 =	simm.s32 @p2 $0x1082  }
0x22: {  	[simem:s7], [sflag:s8] =	dma.local @!p0 [hbm:s6], $0xF7A  }
0x23: {  	s9 =	sor.u32 $0xD0000000, s2;
	s6 =	simm.s32 $0x108;
	_ =	swait.ge @!p0 [sflag:s8], $0x0  }
0x24: {  	s3 =	sadd.s32 $0x88, s3;
	s6 =	simm.s32 @!p1 $0x1082;
	[sflag:s4] =	ssyncset.s32 $0xFFFFF086  }
0x25: {  	[simem:s6], [sflag:s4] =	dma.local [hbm:s3], $0xF7A  }
0x26: {  	[smem:$0x3F96] =	sst s1;
	(tag) =	ssettag s2;
	_ =	strace s9  }
0x27: {  	s1 =	sld [smem:$0x3FA6]  }
0x28: {  	s2 =	sld [smem:$0x3FA7]  }
0x29: {  	s4 =	sld [smem:$0x3FA9]  }
0x2a: {  	p0 =	seq.s32 s5, $0x0;
	s5 =	sld [smem:$0x3FAA]  }
0x2b: {  	s6 =	sld [smem:$0x3FAB]  }
0x2c: {  	s7 =	sld [smem:$0x3FAC]  }
0x2d: {  	s3 =	simm.s32 $0x108;
	s8 =	sld [smem:$0x3FAD]  }
0x2e: {  	s3 =	simm.s32 @!p0 $0x1082;
	s9 =	sld [smem:$0x3FAE]  }
0x2f: {  	lr =	sadd.s32 s0, s3;
	s0 =	sld [smem:$0x3FA5]  }
0x30: {  	s3 =	sld [smem:$0x3FA8]  }
0x31: {  	[smem:$0x3FB1] =	sst s10  }
0x32: {  	s10 =	sld [smem:$0x3FAF];
	_ =	sdelay $0x3  }
0x33: {  	p0 =	seq.s32 s10, $0x1;
	s10 =	sld [smem:$0x3FB1];
	_ =	sdelay $0x3  }
0x34: {  	[smem:$0x3FB1] =	sst s10  }
0x35: {  	s10 =	sld [smem:$0x3FB0];
	_ =	sdelay $0x3  }
0x36: {  	p1 =	seq.s32 s10, $0x1;
	s10 =	sld [smem:$0x3FB1];
	_ =	sdelay $0x3  }
0x37: {  	[smem:$0x3FB1] =	sst s10  }
0x38: {  	s10 =	sld [smem:$0x3FB2]  }
0x39: {  	_ = 	snop;
	(pc) =	sbr.ind lr, $3  }
0x3a: {  	_ = 	snop  }
0x3b: {  	_ = 	snop  }
0x3c: {  	p2 =	seq.s32 s10, $0x1;
	s10 =	sld [smem:$0x3FB1]  }
0x3d: {  	_ =	shalt  }
0x3e: {  	_ =	shalt  }
0x3f: {  	_ =	shalt  }
0x40: {  	_ =	shalt  }
0x41: {  	_ =	shalt  }
0x42: {  	_ =	shalt  }
0x43: {  	_ =	shalt  }
0x44: {  	_ =	shalt  }
0x45: {  	_ =	shalt  }
0x46: {  	_ =	shalt  }
0x47: {  	_ =	shalt  }
0x48: {  	_ =	shalt  }
0x49: {  	_ =	shalt  }
0x4a: {  	_ =	shalt  }
0x4b: {  	_ =	shalt  }
0x4c: {  	_ =	shalt  }
0x4d: {  	_ =	shalt  }
0x4e: {  	_ =	shalt  }
0x4f: {  	_ =	shalt  }
0x50: {  	_ =	shalt  }
0x51: {  	_ =	shalt  }
0x52: {  	_ =	shalt  }
0x53: {  	_ =	shalt  }
0x54: {  	_ =	shalt  }
0x55: {  	_ =	shalt  }
0x56: {  	_ =	shalt  }
0x57: {  	_ =	shalt  }
0x58: {  	_ =	shalt  }
0x59: {  	_ =	shalt  }
0x5a: {  	_ =	shalt  }
0x5b: {  	_ =	shalt  }
0x5c: {  	_ =	shalt  }
0x5d: {  	_ =	shalt  }
0x5e: {  	_ =	shalt  }
0x5f: {  	_ =	shalt  }
0x60: {  	_ =	shalt  }
0x61: {  	_ =	shalt  }
0x62: {  	_ =	shalt  }
0x63: {  	_ =	shalt  }
0x64: {  	_ =	shalt  }
0x65: {  	_ =	shalt  }
0x66: {  	_ =	shalt  }
0x67: {  	_ =	shalt  }
0x68: {  	_ =	shalt  }
0x69: {  	_ =	shalt  }
0x6a: {  	_ =	shalt  }
0x6b: {  	_ =	shalt  }
0x6c: {  	_ =	shalt  }
0x6d: {  	_ =	shalt  }
0x6e: {  	_ =	shalt  }
0x6f: {  	_ =	shalt  }
0x70: {  	_ =	shalt  }
0x71: {  	_ =	shalt  }
0x72: {  	_ =	shalt  }
0x73: {  	_ =	shalt  }
0x74: {  	_ =	shalt  }
0x75: {  	_ =	shalt  }
0x76: {  	_ =	shalt  }
0x77: {  	_ =	shalt  }
0x78: {  	_ =	shalt  }
0x79: {  	_ =	shalt  }
0x7a: {  	_ =	shalt  }
0x7b: {  	_ =	shalt  }
0x7c: {  	_ =	shalt  }
0x7d: {  	_ =	shalt  }
0x7e: {  	_ =	shalt  }
0x7f: {  	_ =	shalt  }
0x80: {  	_ =	shalt  }
0x81: {  	_ =	shalt  }
0x82: {  	_ =	shalt  }
0x83: {  	_ =	shalt  }
0x84: {  	_ =	shalt  }
0x85: {  	_ =	shalt  }
0x86: {  	_ =	shalt  }
0x87: {  	_ =	shalt  }
.Lfunc_end0:
.L_simem_size_0:
called_computation_lowered:
.L_overlay_start_0:
0x88: {  	s2 =	sld [smem:$0x3FD9]  }
0x89: {  	s3 =	sld [smem:$0x3FFE];
	_ =	sdelay $0x1  }
0x8a: {  	s1 =	srdreg.scid  }
0x8b: {  	s0 =	sand.u32 $0x1, s1  }
0x8c: {  	s17 =	sshll.u32 s0, $0xA;
	s2 =	sadd.s32 s3, s2  }
0x8d: {  	s2 =	sadd.s32 s2, s17  }
0x8e: {  	[smem:$0x3FBD] =	sst s2  }
0x8f: {  	_ = 	snop  }
0x90: {  	(tm) =	ssettm $0x1  }
0x91: {  	s18 =	sld [smem:$0x3FFB];
	_ =	sdelay $0x3  }
0x92: {  	_ =	strace s18  }
0x93: {  	s2 =	sld [smem:$0x3FFC];
	_ =	sdelay $0x3  }
0x94: {  	_ =	strace s2  }
0x95: {  	s2 =	sld [smem:$0x3FFD];
	_ =	sdelay $0x3  }
0x96: {  	_ =	strace s2  }
0x97: {  	_ =	strace $0x8FFFFFFF  }
0x98: {  	s19 =	sld [smem:$0x3FDB];
	_ =	sdelay $0x1  }
0x99: {  	s20 =	simm.s32 $_scs_section_size  }
0x9a: {  	s4 =	simm.s32 $_size__tile_overlayer_lowered;
	s5 =	simm.s32 $_tile_overlayer_lowered  }
0x9b: {  	s6 =	simm.s32 $0x1BFF;
	s21 =	sshll.u32 s5, $0x1;
	s3 =	sadd.s32 s20, s19  }
0x9c: {  	s22 =	simm.s32 $0x0;
	s4 =	sshll.u32 s4, $0x1;
	s5 =	sadd.s32 s21, s3  }
0x9d: {  	[timem:s22], [sflag:s6] =	dma.local [hbm:s5], s4  }
0x9e: {  	_ =	swait.ge [sflag:s6], s4  }
0x9f: {  	s4 =	ssub.s32 $0x0, s4;
	[sflag:s6] =	ssyncset.done $0x0  }
0xa0: {  	[sflag:s6] =	ssyncadd.s32 s4;
	_ =	sdelay $0x1  }
0xa1: {  	s23 =	simm.s32 $0x1B8B  }
0xa2: {  	_ =	swait.ge [sflag:s23], $0x1  }
0xa3: {  	[sflag:s23] =	ssyncset.done $0x0  }
0xa4: {  	[sflag:s23] =	ssyncadd.s32 $0xFFFFFFFF  }
0xa5: {  	s4 =	sld [smem:$0x0]  }
0xa6: {  	s5 =	sand.u32 $0xFFFFFFFE, s1  }
0xa7: {  	p0 =	sne.s32 s1, s5  }
0xa8: {  	s5 =	sshll.u32 @p0 s5, $0xE  }
0xa9: {  	s5 =	sadd.s32 @p0 $0x11B8D, s5;
	s6 =	sshll.u32 @p0 s4, $0x11  }
0xaa: {  	s5 =	sor.u32 @p0 s6, s5  }
0xab: {  	[sflag:s5] =	ssyncadd.remote.s32 @p0 $0x1;
	_ =	sdelay $0x1  }
0xac: {  	s5 =	simm.s32 @p0 $0x1B8D  }
0xad: {  	_ =	swait.eq @p0 [sflag:s5], $0x1  }
0xae: {  	[sflag:s5] =	ssyncadd.s32 @p0 $0xFFFFFFFF  }
0xaf: {  	s6 =	sshll.u32 @!p0 s1, $0xE  }
0xb0: {  	s6 =	sor.u32 @!p0 $0x4000, s6;
	s5 =	simm.s32 @!p0 $0x1B8D  }
0xb1: {  	s4 =	sshll.u32 @!p0 s4, $0x11;
	s6 =	sadd.s32 @!p0 $0x11B8D, s6;
	_ =	swait.eq @!p0 [sflag:s5], $0x1  }
0xb2: {  	s4 =	sor.u32 @!p0 s4, s6;
	[sflag:s5] =	ssyncadd.s32 @!p0 $0xFFFFFFFF  }
0xb3: {  	s25 =	simm.s32 $0x1B8E;
	s24 =	sld [smem:$0x3FFE];
	[sflag:s4] =	ssyncadd.remote.s32 @!p0 $0x1  }
0xb4: {  	s26 =	simm.s32 $execute0_lowered;
	[smem:$0x3FD2] =	sst s25  }
0xb5: {  	s5 =	sshll.u32 s26, $0x1;
	_ =	strace $0x8000004C;
	[dreg:$0x1] =	wrdreg $0xFFFFFFFF  }
0xb6: {  	s28 =	simm.s32 $_size_execute0_lowered;
	s3 =	sadd.s32 s3, s5;
	[dreg:$0x0] =	wrdreg $0x0  }
0xb7: {  	s5 =	sshll.u32 s28, $0x1;
	[dreg:$0x2] =	wrdreg s3  }
0xb8: {  	[dreg:$0x3] =	wrdreg s5  }
0xb9: {  	[dreg:$0x4] =	wrdreg $0xC0  }
0xba: {  	_ =	task [dreg:s22], $0x5FFFF  }
0xbb: {  	[dreg:$0x1] =	wrdreg $0xFFFFFFFF  }
0xbc: {  	[dreg:$0x0] =	wrdreg $0x60  }
0xbd: {  	[dreg:$0x2] =	wrdreg s24  }
0xbe: {  	[dreg:$0x3] =	wrdreg $0x9  }
0xbf: {  	_ =	task.clear_ibuf [dreg:s22], $0x4FFFF;
	_ =	strace $0x9000004C  }
0xc0: {  	s29 =	simm.s32 $0x9;
	_ =	strace $0x8000004E  }
0xc1: {  	_ =	swait.ge [sflag:s29], $0x1  }
0xc2: {  	[sflag:s29] =	ssyncadd.s32 $0xFFFFFFFF  }
0xc3: {  	_ =	strace $0x9000004E  }
0xc4: {  	_ =	sfence  }
0xc5: {  	s30 =	sld [smem:$0x0];
	_ =	sdelay $0x2  }
0xc6: {  	s31 =	sshll.u32 s1, $0xD;
	s1 =	sshrl.u32 s1, $0x2  }
0xc7: {  	s4 =	sand.u32 $0x4000, s31;
	s1 =	sadd.s32 s1, s30  }
0xc8: {  	s0 =	sor.u32 s4, s0;
	s1 =	sshll.u32 s1, $0x11  }
0xc9: {  	s0 =	sor.u32 s1, s0  }
0xca: {  	s0 =	sadd.s32 $0x8F2B, s0  }
0xcb: {  	[sflag:s0] =	ssyncadd.remote.s32 $0x1  }
0xcc: {  	_ =	sfence.sel $0xFFFF  }
0xcd: {  	[dreg:$0x0] =	wrdreg $0xFFFFFFFF;
	(pc) =	sbr.abs _section_cstart, $3  }
0xce: {  	[dreg:$0x1] =	wrdreg $0xFFFFFFFF  }
0xcf: {  	_ =	task.clear_ibuf [dreg:s22], $0x2FFFF;
	_ =	strace $0x9FFFFFFF  }
0xd0: {  	(tm) =	ssettm $0x7FFFFFFF  }
0xd1: {  	_ =	shalt  }
tec
execute0_lowered:
.L_overlay_start_1:
0x0: {  	(tag) =	ssettag $0x1  }
0x1: {  	s1 =	srdreg.scid;
	s0 =	stileid.u32  }
0x2: {  	s4 =	rddreg [dreg:$0x0];
	s2 =	simm.s32 $0x0;
	s12 =	simm.s32 $0x5200  }
0x3: {  	s13 =	simm.s32 $0x100;
	s14 =	simm.s32 $0x9200;
	s15 =	simm.s32 $0x1  }
0x4: {  	s16 =	simm.s32 $0x180;
	s17 =	simm.s32 $0xD200;
	s18 =	simm.s32 $0x200  }
0x5: {  	s19 =	simm.s32 $0x11200;
	s20 =	simm.s32 $0x280;
	s21 =	simm.s32 $0x15200  }
0x6: {  	s22 =	simm.s32 $0x2;
	s23 =	simm.s32 $0x3;
	s24 =	simm.s32 $0x0  }
0x7: {  	s5 =	sand.u32 $0x1, s1;
	s3 =	sshll.u32 s0, $0x1;
	s1 =	rddreg [dreg:$0x1]  }
0x8: {  	[smem:$0x7FF] =	sst s2;
	s9 =	smul.u32 $0x24000, s0;
	s10 =	sadd.s32 $0x9E7800, s4  }
0x9: {  	s6 =	sor.u32 s5, s3;
	_ =	strace $0x8000004D;
	s11 =	smul.u32 $0x12000, s5  }
0xa: {  	s3 =	sadd.s32 $0x620E00, s4;
	s8 =	ssub.s32 $0x2, s5;
	s7 =	smul.u32 $0x1200, s6  }
0xb: {  	s6 =	smul.u32 $0x12000, s6;
	s28 =	sshrl.u32 s8, $0x1;
	s30 =	sadd.s32 s9, s10  }
0xc: {  	s9 =	simm.s32 $0x4;
	s29 =	ssub.s32 s8, s28;
	s31 =	sadd.s32 s11, s30  }
0xd: {  	s11 =	simm.s32 $0x1200;
	s7 =	sshrl.u32 s7, $0x3;
	s5 =	smax.u32 s29, $0x1  }
0xe: {  	s6 =	sadd.s32 s10, s6;
	s8 =	sadd.s32 $0x4800, s31;
	s7 =	sadd.s32 s7, s4  }
0xf: {  	s10 =	simm.s32 $0x80;
	s4 =	sadd.s32 $0x2AA00, s7;
	s7 =	sadd.s32 $0x1800, s6  }
.LBB2_1:
0x10: {  	[tilespmem:s2], [sflag:$0x4] =	stream.linear.gather [hbm4b:s4+s2], $0x1200, $0x38;
	[tilespmem:$0x19200] =	vst v63  }
0x11: {  	_ =	swait.ge [sflag:s9], $0x1200  }
0x12: {  	[sflag:s9] =	ssyncset.done $0x0  }
0x13: {  	[sflag:s9] =	ssyncadd.s32 $0xFFFFEE00  }
0x14: {  	[tilespmem:s11], [sflag:$0x1] =	stream.indirect.gather [hbm4b:s3+s10], $0x80, s2, s10, $0xb8;
	[tilespmem:$0x19200] =	vst v63  }
0x15: {  	_ = 	snop  }
0x16: {  	[tilespmem:s12], [sflag:$0x1] =	stream.indirect.gather [hbm4b:s3+s10], $0x80, s10, s10, $0xb8;
	[tilespmem:$0x19200] =	vst v63  }
0x17: {  	_ = 	snop  }
0x18: {  	[tilespmem:s14], [sflag:$0x1] =	stream.indirect.gather [hbm4b:s3+s10], $0x80, s13, s10, $0xb8;
	[tilespmem:$0x19200] =	vst v63  }
0x19: {  	_ =	swait.ge [sflag:s15], $0x4000  }
0x1a: {  	[sflag:s15] =	ssyncset.done $0x0  }
0x1b: {  	[sflag:s15] =	ssyncadd.s32 $0xFFFFC000  }
0x1c: {  	_ =	swait.ge [sflag:s15], $0x4000  }
0x1d: {  	[sflag:s15] =	ssyncset.done $0x0  }
0x1e: {  	[sflag:s15] =	ssyncadd.s32 $0xFFFFC000  }
0x1f: {  	_ =	swait.ge [sflag:s15], $0x4000  }
0x20: {  	[sflag:s15] =	ssyncset.done $0x0  }
0x21: {  	[sflag:s15] =	ssyncadd.s32 $0xFFFFC000  }
0x22: {  	[hbm4b:s6+s2] =	stream.linear.scatter [tilespmem:s11], [sflag:$0x2], $0xC000, $0x38;
	[tilespmem:$0x19200] =	vst v63  }
0x23: {  	_ = 	snop  }
0x24: {  	[tilespmem:s17], [sflag:$0x1] =	stream.indirect.gather [hbm4b:s3+s10], $0x80, s16, s10, $0xb8;
	[tilespmem:$0x19200] =	vst v63  }
0x25: {  	_ = 	snop  }
0x26: {  	[tilespmem:s19], [sflag:$0x1] =	stream.indirect.gather [hbm4b:s3+s10], $0x80, s18, s10, $0xb8;
	[tilespmem:$0x19200] =	vst v63  }
0x27: {  	_ = 	snop  }
0x28: {  	[tilespmem:s21], [sflag:$0x1] =	stream.indirect.gather [hbm4b:s3+s10], $0x80, s20, s10, $0xb8;
	[tilespmem:$0x19200] =	vst v63  }
0x29: {  	_ =	swait.ge [sflag:s15], $0x4000  }
0x2a: {  	[sflag:s15] =	ssyncset.done $0x0  }
0x2b: {  	[sflag:s15] =	ssyncadd.s32 $0xFFFFC000  }
0x2c: {  	_ =	swait.ge [sflag:s15], $0x4000  }
0x2d: {  	[sflag:s15] =	ssyncset.done $0x0  }
0x2e: {  	[sflag:s15] =	ssyncadd.s32 $0xFFFFC000  }
0x2f: {  	_ =	swait.ge [sflag:s15], $0x4000  }
0x30: {  	[sflag:s15] =	ssyncset.done $0x0  }
0x31: {  	[sflag:s15] =	ssyncadd.s32 $0xFFFFC000  }
0x32: {  	[hbm4b:s7+s2] =	stream.linear.scatter [tilespmem:s17], [sflag:$0x3], $0xC000, $0x38;
	[tilespmem:$0x19200] =	vst v63  }
0x33: {  	_ =	swait.ge [sflag:s22], $0xC000  }
0x34: {  	[sflag:s22] =	ssyncset.done $0x0  }
0x35: {  	s25 =	simm.s32 $0x300;
	[sflag:s22] =	ssyncadd.s32 $0xFFFF4000  }
0x36: {  	[tilespmem:s11], [sflag:$0x1] =	stream.indirect.gather [hbm4b:s3+s10], $0x80, s25, s10, $0xb8;
	[tilespmem:$0x19200] =	vst v63  }
0x37: {  	s30 =	simm.s32 $0x380  }
0x38: {  	[tilespmem:s12], [sflag:$0x1] =	stream.indirect.gather [hbm4b:s3+s10], $0x80, s30, s10, $0xb8;
	[tilespmem:$0x19200] =	vst v63  }
0x39: {  	s31 =	simm.s32 $0x400  }
0x3a: {  	[tilespmem:s14], [sflag:$0x1] =	stream.indirect.gather [hbm4b:s3+s10], $0x80, s31, s10, $0xb8;
	[tilespmem:$0x19200] =	vst v63  }
0x3b: {  	_ =	swait.ge [sflag:s15], $0x4000  }
0x3c: {  	[sflag:s15] =	ssyncset.done $0x0  }
0x3d: {  	[sflag:s15] =	ssyncadd.s32 $0xFFFFC000  }
0x3e: {  	_ =	swait.ge [sflag:s15], $0x4000  }
0x3f: {  	[sflag:s15] =	ssyncset.done $0x0  }
0x40: {  	[sflag:s15] =	ssyncadd.s32 $0xFFFFC000  }
0x41: {  	_ =	swait.ge [sflag:s15], $0x4000  }
0x42: {  	[sflag:s15] =	ssyncset.done $0x0  }
0x43: {  	[sflag:s15] =	ssyncadd.s32 $0xFFFFC000  }
0x44: {  	_ =	swait.ge [sflag:s23], $0xC000  }
0x45: {  	[sflag:s23] =	ssyncset.done $0x0  }
0x46: {  	s26 =	sadd.s32 $0xFFFFE800, s8;
	[sflag:s23] =	ssyncadd.s32 $0xFFFF4000  }
0x47: {  	[hbm4b:s26+s2] =	stream.linear.scatter [tilespmem:s11], [sflag:$0x2], $0xC000, $0x38;
	[tilespmem:$0x19200] =	vst v63  }
0x48: {  	s29 =	simm.s32 $0x480  }
0x49: {  	[tilespmem:s17], [sflag:$0x1] =	stream.indirect.gather [hbm4b:s3+s10], $0x80, s29, s10, $0xb8;
	[tilespmem:$0x19200] =	vst v63  }
0x4a: {  	s30 =	simm.s32 $0x500  }
0x4b: {  	[tilespmem:s19], [sflag:$0x1] =	stream.indirect.gather [hbm4b:s3+s10], $0x80, s30, s10, $0xb8;
	[tilespmem:$0x19200] =	vst v63  }
0x4c: {  	s31 =	simm.s32 $0x580  }
0x4d: {  	[tilespmem:s21], [sflag:$0x1] =	stream.indirect.gather [hbm4b:s3+s10], $0x80, s31, s10, $0xb8;
	[tilespmem:$0x19200] =	vst v63  }
0x4e: {  	_ =	swait.ge [sflag:s15], $0x4000  }
0x4f: {  	[sflag:s15] =	ssyncset.done $0x0  }
0x50: {  	[sflag:s15] =	ssyncadd.s32 $0xFFFFC000  }
0x51: {  	_ =	swait.ge [sflag:s15], $0x4000  }
0x52: {  	[sflag:s15] =	ssyncset.done $0x0  }
0x53: {  	[sflag:s15] =	ssyncadd.s32 $0xFFFFC000  }
0x54: {  	_ =	swait.ge [sflag:s15], $0x4000  }
0x55: {  	s28 =	smov.u32 s8;
	[sflag:s15] =	ssyncset.done $0x0  }
0x56: {  	s25 =	simm.s32 $0xC00;
	s26 =	sadd.s32 $0x3000, s8;
	[sflag:s15] =	ssyncadd.s32 $0xFFFFC000  }
.LBB2_2:
0x57: {  	[hbm4b:s28+s2] =	stream.linear.scatter [tilespmem:s17], [sflag:$0x3], $0xC000, $0x38;
	[tilespmem:$0x19200] =	vst v63  }
0x58: {  	s29 =	smov.u32 s25;
	s28 =	smov.u32 s26  }
0x59: {  	p0 =	sne.s32 s25, $0x3000;
	s25 =	sadd.s32 $0xC00, s25;
	_ =	swait.ge [sflag:s22], $0xC000  }
0x5a: {  	s29 =	sshra.s32 s29, $0x2;
	[sflag:s22] =	ssyncset.done $0x0  }
0x5b: {  	s30 =	sadd.s32 $0x300, s29;
	[sflag:s22] =	ssyncadd.s32 $0xFFFF4000  }
0x5c: {  	[tilespmem:s11], [sflag:$0x1] =	stream.indirect.gather [hbm4b:s3+s10], $0x80, s30, s10, $0xb8;
	[tilespmem:$0x19200] =	vst v63  }
0x5d: {  	s30 =	sadd.s32 $0x380, s29  }
0x5e: {  	[tilespmem:s12], [sflag:$0x1] =	stream.indirect.gather [hbm4b:s3+s10], $0x80, s30, s10, $0xb8;
	[tilespmem:$0x19200] =	vst v63  }
0x5f: {  	s30 =	sadd.s32 $0x400, s29  }
0x60: {  	[tilespmem:s14], [sflag:$0x1] =	stream.indirect.gather [hbm4b:s3+s10], $0x80, s30, s10, $0xb8;
	[tilespmem:$0x19200] =	vst v63  }
0x61: {  	_ =	swait.ge [sflag:s15], $0x4000  }
0x62: {  	[sflag:s15] =	ssyncset.done $0x0  }
0x63: {  	[sflag:s15] =	ssyncadd.s32 $0xFFFFC000  }
0x64: {  	_ =	swait.ge [sflag:s15], $0x4000  }
0x65: {  	[sflag:s15] =	ssyncset.done $0x0  }
0x66: {  	[sflag:s15] =	ssyncadd.s32 $0xFFFFC000  }
0x67: {  	_ =	swait.ge [sflag:s15], $0x4000  }
0x68: {  	[sflag:s15] =	ssyncset.done $0x0  }
0x69: {  	[sflag:s15] =	ssyncadd.s32 $0xFFFFC000  }
0x6a: {  	_ =	swait.ge [sflag:s23], $0xC000  }
0x6b: {  	[sflag:s23] =	ssyncset.done $0x0  }
0x6c: {  	s30 =	sadd.s32 $0xFFFFE800, s26;
	[sflag:s23] =	ssyncadd.s32 $0xFFFF4000  }
0x6d: {  	[hbm4b:s30+s2] =	stream.linear.scatter [tilespmem:s11], [sflag:$0x2], $0xC000, $0x38;
	[tilespmem:$0x19200] =	vst v63  }
0x6e: {  	s30 =	sadd.s32 $0x480, s29  }
0x6f: {  	[tilespmem:s17], [sflag:$0x1] =	stream.indirect.gather [hbm4b:s3+s10], $0x80, s30, s10, $0xb8;
	[tilespmem:$0x19200] =	vst v63  }
0x70: {  	s30 =	sadd.s32 $0x500, s29  }
0x71: {  	[tilespmem:s19], [sflag:$0x1] =	stream.indirect.gather [hbm4b:s3+s10], $0x80, s30, s10, $0xb8;
	[tilespmem:$0x19200] =	vst v63  }
0x72: {  	s29 =	sadd.s32 $0x580, s29  }
0x73: {  	[tilespmem:s21], [sflag:$0x1] =	stream.indirect.gather [hbm4b:s3+s10], $0x80, s29, s10, $0xb8;
	[tilespmem:$0x19200] =	vst v63  }
0x74: {  	_ =	swait.ge [sflag:s15], $0x4000  }
0x75: {  	[sflag:s15] =	ssyncset.done $0x0  }
0x76: {  	[sflag:s15] =	ssyncadd.s32 $0xFFFFC000  }
0x77: {  	_ =	swait.ge [sflag:s15], $0x4000  }
.Ltmp0:
0x78: {  	[sflag:s15] =	ssyncset.done $0x0;
	(pc) =	sbr.rel @p0 .LBB2_2-.Ltmp0, $4  }
0x79: {  	[sflag:s15] =	ssyncadd.s32 $0xFFFFC000  }
0x7a: {  	_ =	swait.ge [sflag:s15], $0x4000  }
0x7b: {  	[sflag:s15] =	ssyncset.done $0x0  }
0x7c: {  	s26 =	sadd.s32 $0x3000, s26;
	[sflag:s15] =	ssyncadd.s32 $0xFFFFC000  }
0x7d: {  	[hbm4b:s28+s2] =	stream.linear.scatter [tilespmem:s17], [sflag:$0x3], $0xC000, $0x38;
	[tilespmem:$0x19200] =	vst v63  }
0x7e: {  	s24 =	sadd.s32 $0x1, s24  }
0x7f: {  	_ =	swait.ge [sflag:s22], $0xC000;
	p0 =	sne.s32 s24, s5  }
.Ltmp1:
0x80: {  	[sflag:s22] =	ssyncset.done $0x0;
	(pc) =	sbr.rel @p0 .LBB2_1-.Ltmp1, $4  }
0x81: {  	[sflag:s22] =	ssyncadd.s32 $0xFFFF4000  }
0x82: {  	_ =	swait.ge [sflag:s23], $0xC000  }
0x83: {  	[sflag:s23] =	ssyncset.done $0x0  }
0x84: {  	[sflag:s23] =	ssyncadd.s32 $0xFFFF4000  }
0x85: {  	_ =	sfence.sel $0x180000  }
0x86: {  	[bflag:$0x0] =	sbarrier.arrive $0xFFFF  }
0x87: {  	p0 =	sne.s32 s0, $0x0;
	_ =	strace $0x9000004D  }
0x88: {  	s0 =	sadd.s32 @!p0 $0x100000, s1;
	[bflag:$0x2] =	sbarrier.arrive $0xFFFF  }
0x89: {  	[sflag:s0] =	ssyncadd.tile.s32 @!p0 $0x1;
	_ =	shalt  }
.Lfunc_end2:
_tile_overlayer_lowered:
.L_overlay_start_2:
0x8a: {  	(tag) =	ssettag $0x2  }
0x8b: {  	s0 =	rddreg [dreg:$0x0];
	s2 =	stileid.u32  }
0x8c: {  	s1 =	rddreg [dreg:$0x1];
	p0 =	sne.s32 s2, $0x0  }
0x8d: {  	s3 =	rddreg [dreg:$0x2];
	[bflag:$0x3] =	sbarrier.arrive $0xFFFF;
	s2 =	simm.s32 @!p0 $0x1C04  }
0x8e: {  	[timem:s3], [sflag:s2] =	dma.local @!p0 [hbm:s0], s1  }
0x8f: {  	s0 =	simm.s32 @!p0 $0x4  }
0x90: {  	_ =	swait.ge @!p0 [sflag:s0], s1  }
0x91: {  	s1 =	ssub.s32 @!p0 $0x0, s1;
	[sflag:s0] =	ssyncset.done @!p0 $0x0  }
0x92: {  	[sflag:s0] =	ssyncadd.s32 @!p0 s1  }
0x93: {  	[bflag:$0x3] =	sbarrier.arrive $0xFFFF  }
0x94: {  	_ =	shalt  }

// kernel: kernel.13.cloned.1.call-start
scs
__scs_entry_jumppad:
0x0: {  	(pc) =	sbr.rel $0x88, $3  }
0x1: {  	(tag) =	ssettag $0x0;
	lr =	simm.s32 $0x1  }
0x2: {  	[smem:$0x3F96] =	sst lr;
	_ =	strace $0xD0000000  }
0x3: {  	_ = 	snop  }
0x4: {  	_ = 	snop  }
0x5: {  	_ = 	snop  }
0x6: {  	_ = 	snop  }
0x7: {  	_ = 	snop  }
__scs_overlays_trampoline_lowered:
0x8: {  	[smem:$0x3FA5] =	sst s0  }
0x9: {  	[smem:$0x3FA6] =	sst s1  }
0xa: {  	[smem:$0x3FA7] =	sst s2  }
0xb: {  	[smem:$0x3FA8] =	sst s3  }
0xc: {  	[smem:$0x3FA9] =	sst s4  }
0xd: {  	[smem:$0x3FAA] =	sst s5  }
0xe: {  	[smem:$0x3FAB] =	sst s6  }
0xf: {  	[smem:$0x3FAC] =	sst s7  }
0x10: {  	[smem:$0x3FAD] =	sst s8  }
0x11: {  	[smem:$0x3FAE] =	sst s9;
	s0 =	simm.s32 @!p0 $0x0  }
0x12: {  	s1 =	sld [smem:$0x3F94];
	s0 =	simm.s32 @p0 $0x1  }
0x13: {  	[smem:$0x3FAF] =	sst s0;
	s0 =	simm.s32 @!p1 $0x0  }
0x14: {  	s2 =	sld [smem:$0x3F93];
	s0 =	simm.s32 @p1 $0x1  }
0x15: {  	[smem:$0x3FB0] =	sst s0;
	s0 =	simm.s32 @!p2 $0x0  }
0x16: {  	s3 =	sld [smem:$0x3FDB];
	s0 =	simm.s32 @p2 $0x1  }
0x17: {  	s4 =	simm.s32 $0x1BF5;
	[smem:$0x3FB2] =	sst s0  }
0x18: {  	s0 =	sld [smem:$0x3F95];
	_ =	swait.ge [sflag:s4], $0x0  }
0x19: {  	s7 =	sld [smem:$0x3F96]  }
0x1a: {  	s8 =	sadd.s32 $0xFFFFE003, lr  }
0x1b: {  	s9 =	sadd.s32 $0xFFFFFEF7, lr;
	s5 =	simm.s32 $0xFFFFFFFF;
	p2 =	slt.u32 s8, $0xFFFFF086  }
0x1c: {  	p1 =	slt.u32 s9, $0xF7A;
	s5 =	simm.s32 @!p2 $0x0  }
0x1d: {  	s5 =	simm.s32 @p1 $0x1;
	p0 =	seq.s32 s7, s2  }
0x1e: {  	s7 =	smul.u32 @!p0 $0xF7A, s2;
	p2 =	seq.s32 @!p0 s5, $0x0  }
0x1f: {  	s9 =	smul.u32 $0xF7A, s1;
	s8 =	simm.s32 @!p0 $0x1BF5;
	p2 =	por !p2, p0  }
0x20: {  	[sflag:s8] =	ssyncset.s32 @!p0 $0xFFFFF086;
	s6 =	sadd.s32 @!p0 s3, s7;
	s7 =	simm.s32 @!p0 $0x108  }
0x21: {  	s3 =	sadd.s32 s3, s9;
	s6 =	sadd.s32 @!p0 $0x88, s6;
	s7 =	simm.s32 @p2 $0x1082  }
0x22: {  	[simem:s7], [sflag:s8] =	dma.local @!p0 [hbm:s6], $0xF7A  }
0x23: {  	s9 =	sor.u32 $0xD0000000, s2;
	s6 =	simm.s32 $0x108;
	_ =	swait.ge @!p0 [sflag:s8], $0x0  }
0x24: {  	s3 =	sadd.s32 $0x88, s3;
	s6 =	simm.s32 @!p1 $0x1082;
	[sflag:s4] =	ssyncset.s32 $0xFFFFF086  }
0x25: {  	[simem:s6], [sflag:s4] =	dma.local [hbm:s3], $0xF7A  }
0x26: {  	[smem:$0x3F96] =	sst s1;
	(tag) =	ssettag s2;
	_ =	strace s9  }
0x27: {  	s1 =	sld [smem:$0x3FA6]  }
0x28: {  	s2 =	sld [smem:$0x3FA7]  }
0x29: {  	s4 =	sld [smem:$0x3FA9]  }
0x2a: {  	p0 =	seq.s32 s5, $0x0;
	s5 =	sld [smem:$0x3FAA]  }
0x2b: {  	s6 =	sld [smem:$0x3FAB]  }
0x2c: {  	s7 =	sld [smem:$0x3FAC]  }
0x2d: {  	s3 =	simm.s32 $0x108;
	s8 =	sld [smem:$0x3FAD]  }
0x2e: {  	s3 =	simm.s32 @!p0 $0x1082;
	s9 =	sld [smem:$0x3FAE]  }
0x2f: {  	lr =	sadd.s32 s0, s3;
	s0 =	sld [smem:$0x3FA5]  }
0x30: {  	s3 =	sld [smem:$0x3FA8]  }
0x31: {  	[smem:$0x3FB1] =	sst s10  }
0x32: {  	s10 =	sld [smem:$0x3FAF];
	_ =	sdelay $0x3  }
0x33: {  	p0 =	seq.s32 s10, $0x1;
	s10 =	sld [smem:$0x3FB1];
	_ =	sdelay $0x3  }
0x34: {  	[smem:$0x3FB1] =	sst s10  }
0x35: {  	s10 =	sld [smem:$0x3FB0];
	_ =	sdelay $0x3  }
0x36: {  	p1 =	seq.s32 s10, $0x1;
	s10 =	sld [smem:$0x3FB1];
	_ =	sdelay $0x3  }
0x37: {  	[smem:$0x3FB1] =	sst s10  }
0x38: {  	s10 =	sld [smem:$0x3FB2]  }
0x39: {  	_ = 	snop;
	(pc) =	sbr.ind lr, $3  }
0x3a: {  	_ = 	snop  }
0x3b: {  	_ = 	snop  }
0x3c: {  	p2 =	seq.s32 s10, $0x1;
	s10 =	sld [smem:$0x3FB1]  }
0x3d: {  	_ =	shalt  }
0x3e: {  	_ =	shalt  }
0x3f: {  	_ =	shalt  }
0x40: {  	_ =	shalt  }
0x41: {  	_ =	shalt  }
0x42: {  	_ =	shalt  }
0x43: {  	_ =	shalt  }
0x44: {  	_ =	shalt  }
0x45: {  	_ =	shalt  }
0x46: {  	_ =	shalt  }
0x47: {  	_ =	shalt  }
0x48: {  	_ =	shalt  }
0x49: {  	_ =	shalt  }
0x4a: {  	_ =	shalt  }
0x4b: {  	_ =	shalt  }
0x4c: {  	_ =	shalt  }
0x4d: {  	_ =	shalt  }
0x4e: {  	_ =	shalt  }
0x4f: {  	_ =	shalt  }
0x50: {  	_ =	shalt  }
0x51: {  	_ =	shalt  }
0x52: {  	_ =	shalt  }
0x53: {  	_ =	shalt  }
0x54: {  	_ =	shalt  }
0x55: {  	_ =	shalt  }
0x56: {  	_ =	shalt  }
0x57: {  	_ =	shalt  }
0x58: {  	_ =	shalt  }
0x59: {  	_ =	shalt  }
0x5a: {  	_ =	shalt  }
0x5b: {  	_ =	shalt  }
0x5c: {  	_ =	shalt  }
0x5d: {  	_ =	shalt  }
0x5e: {  	_ =	shalt  }
0x5f: {  	_ =	shalt  }
0x60: {  	_ =	shalt  }
0x61: {  	_ =	shalt  }
0x62: {  	_ =	shalt  }
0x63: {  	_ =	shalt  }
0x64: {  	_ =	shalt  }
0x65: {  	_ =	shalt  }
0x66: {  	_ =	shalt  }
0x67: {  	_ =	shalt  }
0x68: {  	_ =	shalt  }
0x69: {  	_ =	shalt  }
0x6a: {  	_ =	shalt  }
0x6b: {  	_ =	shalt  }
0x6c: {  	_ =	shalt  }
0x6d: {  	_ =	shalt  }
0x6e: {  	_ =	shalt  }
0x6f: {  	_ =	shalt  }
0x70: {  	_ =	shalt  }
0x71: {  	_ =	shalt  }
0x72: {  	_ =	shalt  }
0x73: {  	_ =	shalt  }
0x74: {  	_ =	shalt  }
0x75: {  	_ =	shalt  }
0x76: {  	_ =	shalt  }
0x77: {  	_ =	shalt  }
0x78: {  	_ =	shalt  }
0x79: {  	_ =	shalt  }
0x7a: {  	_ =	shalt  }
0x7b: {  	_ =	shalt  }
0x7c: {  	_ =	shalt  }
0x7d: {  	_ =	shalt  }
0x7e: {  	_ =	shalt  }
0x7f: {  	_ =	shalt  }
0x80: {  	_ =	shalt  }
0x81: {  	_ =	shalt  }
0x82: {  	_ =	shalt  }
0x83: {  	_ =	shalt  }
0x84: {  	_ =	shalt  }
0x85: {  	_ =	shalt  }
0x86: {  	_ =	shalt  }
0x87: {  	_ =	shalt  }
.Lfunc_end0:
.L_simem_size_0:
called_computation.1_lowered:
.L_overlay_start_0:
0x88: {  	s2 =	sld [smem:$0x3FD9]  }
0x89: {  	s3 =	sld [smem:$0x3FFE];
	_ =	sdelay $0x1  }
0x8a: {  	s1 =	srdreg.scid  }
0x8b: {  	s0 =	sand.u32 $0x1, s1  }
0x8c: {  	s17 =	sshll.u32 s0, $0xA;
	s2 =	sadd.s32 s3, s2  }
0x8d: {  	s2 =	sadd.s32 s2, s17  }
0x8e: {  	[smem:$0x3FBD] =	sst s2  }
0x8f: {  	_ = 	snop  }
0x90: {  	s2 =	sld [smem:$0x3FC9]  }
0x91: {  	s18 =	sld [smem:$0x3FC6];
	(tm) =	ssettm $0x1  }
0x92: {  	s4 =	sld [smem:$0x3FFB];
	_ =	sdelay $0x3  }
0x93: {  	_ =	strace s4  }
0x94: {  	s4 =	sld [smem:$0x3FFC];
	_ =	sdelay $0x3  }
0x95: {  	_ =	strace s4  }
0x96: {  	s4 =	sld [smem:$0x3FFD];
	_ =	sdelay $0x3  }
0x97: {  	_ =	strace s4  }
0x98: {  	_ =	strace $0x8FFFFFFF  }
0x99: {  	s19 =	sld [smem:$0x3FDB];
	_ =	sdelay $0x1  }
0x9a: {  	s5 =	simm.s32 $_scs_section_size  }
0x9b: {  	s6 =	simm.s32 $_size__tile_overlayer_lowered;
	s7 =	simm.s32 $_tile_overlayer_lowered  }
0x9c: {  	s22 =	simm.s32 $0x1BFF;
	s21 =	sshll.u32 s7, $0x1;
	s4 =	sadd.s32 s5, s19  }
0x9d: {  	s8 =	simm.s32 $0x0;
	s20 =	sshll.u32 s6, $0x1;
	s6 =	sadd.s32 s21, s4  }
0x9e: {  	[timem:s8], [sflag:s22] =	dma.local [hbm:s6], s20  }
0x9f: {  	_ =	swait.ge [sflag:s22], s20  }
0xa0: {  	s5 =	ssub.s32 $0x0, s20;
	[sflag:s22] =	ssyncset.done $0x0  }
0xa1: {  	[sflag:s22] =	ssyncadd.s32 s5;
	_ =	sdelay $0x1  }
0xa2: {  	s23 =	simm.s32 $0x1B8B  }
0xa3: {  	_ =	swait.ge [sflag:s23], $0x1  }
0xa4: {  	[sflag:s23] =	ssyncset.done $0x0  }
0xa5: {  	s25 =	simm.s32 $0x1B8E;
	s24 =	sld [smem:$0x3FFE];
	[sflag:s23] =	ssyncadd.s32 $0xFFFFFFFF  }
0xa6: {  	s26 =	simm.s32 $execute0_lowered;
	[smem:$0x3FD2] =	sst s25  }
0xa7: {  	s6 =	sshll.u32 s26, $0x1;
	_ =	strace $0x80000046;
	[dreg:$0x1] =	wrdreg $0xFFFFFFFF  }
0xa8: {  	s28 =	simm.s32 $_size_execute0_lowered;
	s4 =	sadd.s32 s4, s6;
	[dreg:$0x0] =	wrdreg $0x0  }
0xa9: {  	s6 =	sshll.u32 s28, $0x1;
	[dreg:$0x2] =	wrdreg s4  }
0xaa: {  	[dreg:$0x3] =	wrdreg s6  }
0xab: {  	[dreg:$0x4] =	wrdreg $0xC0  }
0xac: {  	_ =	task [dreg:s8], $0x5FFFF  }
0xad: {  	[dreg:$0x1] =	wrdreg $0xFFFFFFFF  }
0xae: {  	[dreg:$0x0] =	wrdreg $0x60  }
0xaf: {  	[dreg:$0x2] =	wrdreg s24  }
0xb0: {  	[dreg:$0x3] =	wrdreg s2  }
0xb1: {  	[dreg:$0x4] =	wrdreg s18  }
0xb2: {  	[dreg:$0x5] =	wrdreg $0xA  }
0xb3: {  	_ =	task.clear_ibuf [dreg:s8], $0x6FFFF;
	_ =	strace $0x90000046  }
0xb4: {  	s29 =	simm.s32 $0xA;
	_ =	strace $0x80000048  }
0xb5: {  	_ =	swait.ge [sflag:s29], $0x1  }
0xb6: {  	[sflag:s29] =	ssyncadd.s32 $0xFFFFFFFF  }
0xb7: {  	_ =	strace $0x90000048  }
0xb8: {  	_ =	sfence  }
0xb9: {  	s30 =	sld [smem:$0x0];
	_ =	sdelay $0x2  }
0xba: {  	s31 =	sshll.u32 s1, $0xD;
	s1 =	sshrl.u32 s1, $0x2  }
0xbb: {  	s3 =	sand.u32 $0x4000, s31;
	s1 =	sadd.s32 s1, s30  }
0xbc: {  	s0 =	sor.u32 s3, s0;
	s1 =	sshll.u32 s1, $0x11  }
0xbd: {  	s0 =	sor.u32 s1, s0  }
0xbe: {  	s0 =	sadd.s32 $0x8F2B, s0  }
0xbf: {  	[sflag:s0] =	ssyncadd.remote.s32 $0x1  }
0xc0: {  	_ =	sfence.sel $0xFFFF  }
0xc1: {  	[dreg:$0x0] =	wrdreg $0xFFFFFFFF;
	(pc) =	sbr.abs _section_cstart, $3  }
0xc2: {  	[dreg:$0x1] =	wrdreg $0xFFFFFFFF  }
0xc3: {  	_ =	task.clear_ibuf [dreg:s8], $0x2FFFF;
	_ =	strace $0x9FFFFFFF  }
0xc4: {  	(tm) =	ssettm $0x7FFFFFFF  }
0xc5: {  	_ =	shalt  }
tec
execute0_lowered:
.L_overlay_start_1:
0x0: {  	(tag) =	ssettag $0x1  }
0x1: {  	s12 =	rddreg [dreg:$0x0];
	s1 =	srdreg.scid  }
0x2: {  	s3 =	rddreg [dreg:$0x1];
	s0 =	stileid.u32;
	s13 =	sand.u32 $0x1, s1  }
0x3: {  	s5 =	rddreg [dreg:$0x2];
	s4 =	sshll.u32 s0, $0x8;
	s6 =	sshll.u32 s13, $0x7  }
0x4: {  	s2 =	simm.s32 $0x0;
	s1 =	rddreg [dreg:$0x3];
	s14 =	sor.u32 s6, s4  }
0x5: {  	[smem:$0x7FF] =	sst s2;
	s6 =	sshrl.u32 s14, $0x3  }
0x6: {  	_ =	strace $0x80000047;
	s4 =	simm.s32 $0x3;
	s3 =	sadd.s32 s3, s6  }
0x7: {  	[tilespmem:s2], [sflag:$0x3] =	stream.linear.gather [hbm4b:s3+s2], $0x80, $0x38;
	[tilespmem:$0x8100] =	vst v63  }
0x8: {  	_ =	swait.ge [sflag:s4], $0x80  }
0x9: {  	[sflag:s4] =	ssyncset.done $0x0  }
0xa: {  	s5 =	sadd.s32 s5, s6;
	s6 =	simm.s32 $0x80;
	[sflag:s4] =	ssyncadd.s32 $0xFFFFFF80  }
0xb: {  	[tilespmem:s6], [sflag:$0x3] =	stream.linear.gather [hbm4b:s5+s2], $0x80, $0x38;
	[tilespmem:$0x8100] =	vst v63  }
0xc: {  	_ =	swait.ge [sflag:s4], $0x80  }
0xd: {  	[sflag:s4] =	ssyncset.done $0x0  }
0xe: {  	s8 =	simm.s32 $0x100;
	s7 =	sadd.s32 $0x18CE00, s12;
	[sflag:s4] =	ssyncadd.s32 $0xFFFFFF80  }
0xf: {  	[tilespmem:s8], [sflag:$0x1] =	stream.indirect.gather [hbm4b:s7+s6], $0x80, s2, s6, $0xb8;
	[tilespmem:$0x8100] =	vst v63  }
0x10: {  	s10 =	simm.s32 $0x4100;
	s11 =	simm.s32 $0x1;
	s9 =	sadd.s32 $0x313A00, s12  }
0x11: {  	[tilespmem:s10], [sflag:$0x1] =	stream.indirect.gather [hbm4b:s9+s6], $0x80, s6, s6, $0xb8;
	[tilespmem:$0x8100] =	vst v63  }
0x12: {  	_ =	swait.ge [sflag:s11], $0x4000  }
0x13: {  	[sflag:s11] =	ssyncset.done $0x0  }
0x14: {  	s15 =	ssub.s32 $0x2, s13;
	[sflag:s11] =	ssyncadd.s32 $0xFFFFC000  }
0x15: {  	s16 =	sshrl.u32 s15, $0x1;
	s14 =	sshll.u32 s14, $0x4;
	_ =	swait.ge [sflag:s11], $0x4000  }
0x16: {  	s15 =	ssub.s32 s15, s16;
	s14 =	sadd.s32 s14, s12;
	[sflag:s11] =	ssyncset.done $0x0  }
0x17: {  	s15 =	smax.u32 s15, $0x1;
	s12 =	sadd.s32 $0x6200, s14;
	[sflag:s11] =	ssyncadd.s32 $0xFFFFC000  }
0x18: {  	[hbm4b:s12+s2] =	stream.linear.scatter [tilespmem:s8], [sflag:$0x2], $0x4000, $0x38;
	[tilespmem:$0x8100] =	vst v63  }
0x19: {  	s13 =	simm.s32 $0x2;
	s14 =	sadd.s32 $0x16200, s14;
	p0 =	sne.s32 s15, $0x1  }
0x1a: {  	[hbm4b:s14+s2] =	stream.linear.scatter [tilespmem:s10], [sflag:$0x2], $0x4000, $0x38;
	[tilespmem:$0x8100] =	vst v63  }
.Ltmp0:
0x1b: {  	_ =	swait.ge [sflag:s13], $0x4000;
	(pc) =	sbr.rel @!p0 .LBB2_2-.Ltmp0, $4  }
0x1c: {  	[sflag:s13] =	ssyncset.done $0x0  }
0x1d: {  	[sflag:s13] =	ssyncadd.s32 $0xFFFFC000  }
0x1e: {  	_ =	swait.ge [sflag:s13], $0x4000  }
0x1f: {  	s15 =	sadd.s32 $0xFFFFFFFF, s15;
	[sflag:s13] =	ssyncset.done $0x0  }
.LBB2_1:
0x20: {  	p0 =	sne.s32 s15, $0x1;
	s15 =	sadd.s32 $0xFFFFFFFF, s15;
	[sflag:s13] =	ssyncadd.s32 $0xFFFFC000  }
0x21: {  	[tilespmem:s2], [sflag:$0x3] =	stream.linear.gather [hbm4b:s3+s2], $0x80, $0x38;
	[tilespmem:$0x8100] =	vst v63  }
0x22: {  	_ =	swait.ge [sflag:s4], $0x80  }
0x23: {  	[sflag:s4] =	ssyncset.done $0x0  }
0x24: {  	[sflag:s4] =	ssyncadd.s32 $0xFFFFFF80  }
0x25: {  	[tilespmem:s6], [sflag:$0x3] =	stream.linear.gather [hbm4b:s5+s2], $0x80, $0x38;
	[tilespmem:$0x8100] =	vst v63  }
0x26: {  	_ =	swait.ge [sflag:s4], $0x80  }
0x27: {  	[sflag:s4] =	ssyncset.done $0x0  }
0x28: {  	[sflag:s4] =	ssyncadd.s32 $0xFFFFFF80  }
0x29: {  	[tilespmem:s8], [sflag:$0x1] =	stream.indirect.gather [hbm4b:s7+s6], $0x80, s2, s6, $0xb8;
	[tilespmem:$0x8100] =	vst v63  }
0x2a: {  	_ = 	snop  }
0x2b: {  	[tilespmem:s10], [sflag:$0x1] =	stream.indirect.gather [hbm4b:s9+s6], $0x80, s6, s6, $0xb8;
	[tilespmem:$0x8100] =	vst v63  }
0x2c: {  	_ =	swait.ge [sflag:s11], $0x4000  }
0x2d: {  	[sflag:s11] =	ssyncset.done $0x0  }
0x2e: {  	[sflag:s11] =	ssyncadd.s32 $0xFFFFC000  }
0x2f: {  	_ =	swait.ge [sflag:s11], $0x4000  }
0x30: {  	[sflag:s11] =	ssyncset.done $0x0  }
0x31: {  	[sflag:s11] =	ssyncadd.s32 $0xFFFFC000  }
0x32: {  	[hbm4b:s12+s2] =	stream.linear.scatter [tilespmem:s8], [sflag:$0x2], $0x4000, $0x38;
	[tilespmem:$0x8100] =	vst v63  }
0x33: {  	_ = 	snop  }
0x34: {  	[hbm4b:s14+s2] =	stream.linear.scatter [tilespmem:s10], [sflag:$0x2], $0x4000, $0x38;
	[tilespmem:$0x8100] =	vst v63  }
.Ltmp1:
0x35: {  	_ =	swait.ge [sflag:s13], $0x4000;
	(pc) =	sbr.rel @p0 .LBB2_1-.Ltmp1, $4  }
0x36: {  	[sflag:s13] =	ssyncset.done $0x0  }
0x37: {  	[sflag:s13] =	ssyncadd.s32 $0xFFFFC000  }
0x38: {  	_ =	swait.ge [sflag:s13], $0x4000  }
0x39: {  	[sflag:s13] =	ssyncset.done $0x0  }
.LBB2_2:
0x3a: {  	[sflag:s13] =	ssyncadd.s32 $0xFFFFC000  }
0x3b: {  	_ =	sfence.sel $0x180000  }
0x3c: {  	[bflag:$0x0] =	sbarrier.arrive $0xFFFF  }
0x3d: {  	p0 =	sne.s32 s0, $0x0;
	_ =	strace $0x90000047  }
0x3e: {  	s0 =	sadd.s32 @!p0 $0x100000, s1;
	[bflag:$0x2] =	sbarrier.arrive $0xFFFF  }
0x3f: {  	[sflag:s0] =	ssyncadd.tile.s32 @!p0 $0x1;
	_ =	shalt  }
.Lfunc_end2:
_tile_overlayer_lowered:
.L_overlay_start_2:
0x40: {  	(tag) =	ssettag $0x2  }
0x41: {  	s0 =	rddreg [dreg:$0x0];
	s2 =	stileid.u32  }
0x42: {  	s1 =	rddreg [dreg:$0x1];
	p0 =	sne.s32 s2, $0x0  }
0x43: {  	s3 =	rddreg [dreg:$0x2];
	[bflag:$0x3] =	sbarrier.arrive $0xFFFF;
	s2 =	simm.s32 @!p0 $0x1C03  }
0x44: {  	[timem:s3], [sflag:s2] =	dma.local @!p0 [hbm:s0], s1  }
0x45: {  	s0 =	simm.s32 @!p0 $0x3  }
0x46: {  	_ =	swait.ge @!p0 [sflag:s0], s1  }
0x47: {  	s1 =	ssub.s32 @!p0 $0x0, s1;
	[sflag:s0] =	ssyncset.done @!p0 $0x0  }
0x48: {  	[sflag:s0] =	ssyncadd.s32 @!p0 s1  }
0x49: {  	[bflag:$0x3] =	sbarrier.arrive $0xFFFF  }
0x4a: {  	_ =	shalt  }

// kernel: kernel.16.cloned.1.call-start
scs
__scs_entry_jumppad:
0x0: {  	(pc) =	sbr.rel $0x88, $3  }
0x1: {  	(tag) =	ssettag $0x0;
	lr =	simm.s32 $0x1  }
0x2: {  	[smem:$0x3F96] =	sst lr;
	_ =	strace $0xD0000000  }
0x3: {  	_ = 	snop  }
0x4: {  	_ = 	snop  }
0x5: {  	_ = 	snop  }
0x6: {  	_ = 	snop  }
0x7: {  	_ = 	snop  }
__scs_overlays_trampoline_lowered:
0x8: {  	[smem:$0x3FA5] =	sst s0  }
0x9: {  	[smem:$0x3FA6] =	sst s1  }
0xa: {  	[smem:$0x3FA7] =	sst s2  }
0xb: {  	[smem:$0x3FA8] =	sst s3  }
0xc: {  	[smem:$0x3FA9] =	sst s4  }
0xd: {  	[smem:$0x3FAA] =	sst s5  }
0xe: {  	[smem:$0x3FAB] =	sst s6  }
0xf: {  	[smem:$0x3FAC] =	sst s7  }
0x10: {  	[smem:$0x3FAD] =	sst s8  }
0x11: {  	[smem:$0x3FAE] =	sst s9;
	s0 =	simm.s32 @!p0 $0x0  }
0x12: {  	s1 =	sld [smem:$0x3F94];
	s0 =	simm.s32 @p0 $0x1  }
0x13: {  	[smem:$0x3FAF] =	sst s0;
	s0 =	simm.s32 @!p1 $0x0  }
0x14: {  	s2 =	sld [smem:$0x3F93];
	s0 =	simm.s32 @p1 $0x1  }
0x15: {  	[smem:$0x3FB0] =	sst s0;
	s0 =	simm.s32 @!p2 $0x0  }
0x16: {  	s3 =	sld [smem:$0x3FDB];
	s0 =	simm.s32 @p2 $0x1  }
0x17: {  	s4 =	simm.s32 $0x1BF5;
	[smem:$0x3FB2] =	sst s0  }
0x18: {  	s0 =	sld [smem:$0x3F95];
	_ =	swait.ge [sflag:s4], $0x0  }
0x19: {  	s7 =	sld [smem:$0x3F96]  }
0x1a: {  	s8 =	sadd.s32 $0xFFFFE003, lr  }
0x1b: {  	s9 =	sadd.s32 $0xFFFFFEF7, lr;
	s5 =	simm.s32 $0xFFFFFFFF;
	p2 =	slt.u32 s8, $0xFFFFF086  }
0x1c: {  	p1 =	slt.u32 s9, $0xF7A;
	s5 =	simm.s32 @!p2 $0x0  }
0x1d: {  	s5 =	simm.s32 @p1 $0x1;
	p0 =	seq.s32 s7, s2  }
0x1e: {  	s7 =	smul.u32 @!p0 $0xF7A, s2;
	p2 =	seq.s32 @!p0 s5, $0x0  }
0x1f: {  	s9 =	smul.u32 $0xF7A, s1;
	s8 =	simm.s32 @!p0 $0x1BF5;
	p2 =	por !p2, p0  }
0x20: {  	[sflag:s8] =	ssyncset.s32 @!p0 $0xFFFFF086;
	s6 =	sadd.s32 @!p0 s3, s7;
	s7 =	simm.s32 @!p0 $0x108  }
0x21: {  	s3 =	sadd.s32 s3, s9;
	s6 =	sadd.s32 @!p0 $0x88, s6;
	s7 =	simm.s32 @p2 $0x1082  }
0x22: {  	[simem:s7], [sflag:s8] =	dma.local @!p0 [hbm:s6], $0xF7A  }
0x23: {  	s9 =	sor.u32 $0xD0000000, s2;
	s6 =	simm.s32 $0x108;
	_ =	swait.ge @!p0 [sflag:s8], $0x0  }
0x24: {  	s3 =	sadd.s32 $0x88, s3;
	s6 =	simm.s32 @!p1 $0x1082;
	[sflag:s4] =	ssyncset.s32 $0xFFFFF086  }
0x25: {  	[simem:s6], [sflag:s4] =	dma.local [hbm:s3], $0xF7A  }
0x26: {  	[smem:$0x3F96] =	sst s1;
	(tag) =	ssettag s2;
	_ =	strace s9  }
0x27: {  	s1 =	sld [smem:$0x3FA6]  }
0x28: {  	s2 =	sld [smem:$0x3FA7]  }
0x29: {  	s4 =	sld [smem:$0x3FA9]  }
0x2a: {  	p0 =	seq.s32 s5, $0x0;
	s5 =	sld [smem:$0x3FAA]  }
0x2b: {  	s6 =	sld [smem:$0x3FAB]  }
0x2c: {  	s7 =	sld [smem:$0x3FAC]  }
0x2d: {  	s3 =	simm.s32 $0x108;
	s8 =	sld [smem:$0x3FAD]  }
0x2e: {  	s3 =	simm.s32 @!p0 $0x1082;
	s9 =	sld [smem:$0x3FAE]  }
0x2f: {  	lr =	sadd.s32 s0, s3;
	s0 =	sld [smem:$0x3FA5]  }
0x30: {  	s3 =	sld [smem:$0x3FA8]  }
0x31: {  	[smem:$0x3FB1] =	sst s10  }
0x32: {  	s10 =	sld [smem:$0x3FAF];
	_ =	sdelay $0x3  }
0x33: {  	p0 =	seq.s32 s10, $0x1;
	s10 =	sld [smem:$0x3FB1];
	_ =	sdelay $0x3  }
0x34: {  	[smem:$0x3FB1] =	sst s10  }
0x35: {  	s10 =	sld [smem:$0x3FB0];
	_ =	sdelay $0x3  }
0x36: {  	p1 =	seq.s32 s10, $0x1;
	s10 =	sld [smem:$0x3FB1];
	_ =	sdelay $0x3  }
0x37: {  	[smem:$0x3FB1] =	sst s10  }
0x38: {  	s10 =	sld [smem:$0x3FB2]  }
0x39: {  	_ = 	snop;
	(pc) =	sbr.ind lr, $3  }
0x3a: {  	_ = 	snop  }
0x3b: {  	_ = 	snop  }
0x3c: {  	p2 =	seq.s32 s10, $0x1;
	s10 =	sld [smem:$0x3FB1]  }
0x3d: {  	_ =	shalt  }
0x3e: {  	_ =	shalt  }
0x3f: {  	_ =	shalt  }
0x40: {  	_ =	shalt  }
0x41: {  	_ =	shalt  }
0x42: {  	_ =	shalt  }
0x43: {  	_ =	shalt  }
0x44: {  	_ =	shalt  }
0x45: {  	_ =	shalt  }
0x46: {  	_ =	shalt  }
0x47: {  	_ =	shalt  }
0x48: {  	_ =	shalt  }
0x49: {  	_ =	shalt  }
0x4a: {  	_ =	shalt  }
0x4b: {  	_ =	shalt  }
0x4c: {  	_ =	shalt  }
0x4d: {  	_ =	shalt  }
0x4e: {  	_ =	shalt  }
0x4f: {  	_ =	shalt  }
0x50: {  	_ =	shalt  }
0x51: {  	_ =	shalt  }
0x52: {  	_ =	shalt  }
0x53: {  	_ =	shalt  }
0x54: {  	_ =	shalt  }
0x55: {  	_ =	shalt  }
0x56: {  	_ =	shalt  }
0x57: {  	_ =	shalt  }
0x58: {  	_ =	shalt  }
0x59: {  	_ =	shalt  }
0x5a: {  	_ =	shalt  }
0x5b: {  	_ =	shalt  }
0x5c: {  	_ =	shalt  }
0x5d: {  	_ =	shalt  }
0x5e: {  	_ =	shalt  }
0x5f: {  	_ =	shalt  }
0x60: {  	_ =	shalt  }
0x61: {  	_ =	shalt  }
0x62: {  	_ =	shalt  }
0x63: {  	_ =	shalt  }
0x64: {  	_ =	shalt  }
0x65: {  	_ =	shalt  }
0x66: {  	_ =	shalt  }
0x67: {  	_ =	shalt  }
0x68: {  	_ =	shalt  }
0x69: {  	_ =	shalt  }
0x6a: {  	_ =	shalt  }
0x6b: {  	_ =	shalt  }
0x6c: {  	_ =	shalt  }
0x6d: {  	_ =	shalt  }
0x6e: {  	_ =	shalt  }
0x6f: {  	_ =	shalt  }
0x70: {  	_ =	shalt  }
0x71: {  	_ =	shalt  }
0x72: {  	_ =	shalt  }
0x73: {  	_ =	shalt  }
0x74: {  	_ =	shalt  }
0x75: {  	_ =	shalt  }
0x76: {  	_ =	shalt  }
0x77: {  	_ =	shalt  }
0x78: {  	_ =	shalt  }
0x79: {  	_ =	shalt  }
0x7a: {  	_ =	shalt  }
0x7b: {  	_ =	shalt  }
0x7c: {  	_ =	shalt  }
0x7d: {  	_ =	shalt  }
0x7e: {  	_ =	shalt  }
0x7f: {  	_ =	shalt  }
0x80: {  	_ =	shalt  }
0x81: {  	_ =	shalt  }
0x82: {  	_ =	shalt  }
0x83: {  	_ =	shalt  }
0x84: {  	_ =	shalt  }
0x85: {  	_ =	shalt  }
0x86: {  	_ =	shalt  }
0x87: {  	_ =	shalt  }
.Lfunc_end0:
.L_simem_size_0:
called_computation.2_lowered:
.L_overlay_start_0:
0x88: {  	s2 =	sld [smem:$0x3FD9]  }
0x89: {  	s3 =	sld [smem:$0x3FFE];
	_ =	sdelay $0x1  }
0x8a: {  	s1 =	srdreg.scid  }
0x8b: {  	s0 =	sand.u32 $0x1, s1  }
0x8c: {  	s17 =	sshll.u32 s0, $0xA;
	s2 =	sadd.s32 s3, s2  }
0x8d: {  	s2 =	sadd.s32 s2, s17  }
0x8e: {  	[smem:$0x3FBD] =	sst s2  }
0x8f: {  	_ = 	snop  }
0x90: {  	(tm) =	ssettm $0x1  }
0x91: {  	s18 =	sld [smem:$0x3FFB];
	_ =	sdelay $0x3  }
0x92: {  	_ =	strace s18  }
0x93: {  	s2 =	sld [smem:$0x3FFC];
	_ =	sdelay $0x3  }
0x94: {  	_ =	strace s2  }
0x95: {  	s2 =	sld [smem:$0x3FFD];
	_ =	sdelay $0x3  }
0x96: {  	_ =	strace s2  }
0x97: {  	_ =	strace $0x8FFFFFFF  }
0x98: {  	s19 =	sld [smem:$0x3FDB];
	_ =	sdelay $0x1  }
0x99: {  	s20 =	simm.s32 $_scs_section_size  }
0x9a: {  	s4 =	simm.s32 $_size__tile_overlayer_lowered;
	s5 =	simm.s32 $_tile_overlayer_lowered  }
0x9b: {  	s6 =	simm.s32 $0x1BFF;
	s21 =	sshll.u32 s5, $0x1;
	s3 =	sadd.s32 s20, s19  }
0x9c: {  	s22 =	simm.s32 $0x0;
	s4 =	sshll.u32 s4, $0x1;
	s5 =	sadd.s32 s21, s3  }
0x9d: {  	[timem:s22], [sflag:s6] =	dma.local [hbm:s5], s4  }
0x9e: {  	_ =	swait.ge [sflag:s6], s4  }
0x9f: {  	s4 =	ssub.s32 $0x0, s4;
	[sflag:s6] =	ssyncset.done $0x0  }
0xa0: {  	[sflag:s6] =	ssyncadd.s32 s4;
	_ =	sdelay $0x1  }
0xa1: {  	s23 =	simm.s32 $0x1B8B  }
0xa2: {  	_ =	swait.ge [sflag:s23], $0x1  }
0xa3: {  	[sflag:s23] =	ssyncset.done $0x0  }
0xa4: {  	[sflag:s23] =	ssyncadd.s32 $0xFFFFFFFF  }
0xa5: {  	s4 =	sld [smem:$0x0]  }
0xa6: {  	s5 =	sand.u32 $0xFFFFFFFE, s1  }
0xa7: {  	p0 =	sne.s32 s1, s5  }
0xa8: {  	s5 =	sshll.u32 @p0 s5, $0xE  }
0xa9: {  	s5 =	sadd.s32 @p0 $0x11B8D, s5;
	s6 =	sshll.u32 @p0 s4, $0x11  }
0xaa: {  	s5 =	sor.u32 @p0 s6, s5  }
0xab: {  	[sflag:s5] =	ssyncadd.remote.s32 @p0 $0x1;
	_ =	sdelay $0x1  }
0xac: {  	s5 =	simm.s32 @p0 $0x1B8D  }
0xad: {  	_ =	swait.eq @p0 [sflag:s5], $0x1  }
0xae: {  	[sflag:s5] =	ssyncadd.s32 @p0 $0xFFFFFFFF  }
0xaf: {  	s6 =	sshll.u32 @!p0 s1, $0xE  }
0xb0: {  	s6 =	sor.u32 @!p0 $0x4000, s6;
	s5 =	simm.s32 @!p0 $0x1B8D  }
0xb1: {  	s4 =	sshll.u32 @!p0 s4, $0x11;
	s6 =	sadd.s32 @!p0 $0x11B8D, s6;
	_ =	swait.eq @!p0 [sflag:s5], $0x1  }
0xb2: {  	s4 =	sor.u32 @!p0 s4, s6;
	[sflag:s5] =	ssyncadd.s32 @!p0 $0xFFFFFFFF  }
0xb3: {  	s25 =	simm.s32 $0x1B8E;
	s24 =	sld [smem:$0x3FFE];
	[sflag:s4] =	ssyncadd.remote.s32 @!p0 $0x1  }
0xb4: {  	s26 =	simm.s32 $execute0_lowered;
	[smem:$0x3FD2] =	sst s25  }
0xb5: {  	s5 =	sshll.u32 s26, $0x1;
	_ =	strace $0x80000049;
	[dreg:$0x1] =	wrdreg $0xFFFFFFFF  }
0xb6: {  	s28 =	simm.s32 $_size_execute0_lowered;
	s3 =	sadd.s32 s3, s5;
	[dreg:$0x0] =	wrdreg $0x0  }
0xb7: {  	s5 =	sshll.u32 s28, $0x1;
	[dreg:$0x2] =	wrdreg s3  }
0xb8: {  	[dreg:$0x3] =	wrdreg s5  }
0xb9: {  	[dreg:$0x4] =	wrdreg $0xC0  }
0xba: {  	_ =	task [dreg:s22], $0x5FFFF  }
0xbb: {  	[dreg:$0x1] =	wrdreg $0xFFFFFFFF  }
0xbc: {  	[dreg:$0x0] =	wrdreg $0x60  }
0xbd: {  	[dreg:$0x2] =	wrdreg s24  }
0xbe: {  	[dreg:$0x3] =	wrdreg $0xB  }
0xbf: {  	_ =	task.clear_ibuf [dreg:s22], $0x4FFFF;
	_ =	strace $0x90000049  }
0xc0: {  	s29 =	simm.s32 $0xB;
	_ =	strace $0x8000004B  }
0xc1: {  	_ =	swait.ge [sflag:s29], $0x1  }
0xc2: {  	[sflag:s29] =	ssyncadd.s32 $0xFFFFFFFF  }
0xc3: {  	_ =	strace $0x9000004B  }
0xc4: {  	_ =	sfence  }
0xc5: {  	s30 =	sld [smem:$0x0];
	_ =	sdelay $0x2  }
0xc6: {  	s31 =	sshll.u32 s1, $0xD;
	s1 =	sshrl.u32 s1, $0x2  }
0xc7: {  	s4 =	sand.u32 $0x4000, s31;
	s1 =	sadd.s32 s1, s30  }
0xc8: {  	s0 =	sor.u32 s4, s0;
	s1 =	sshll.u32 s1, $0x11  }
0xc9: {  	s0 =	sor.u32 s1, s0  }
0xca: {  	s0 =	sadd.s32 $0x8F2B, s0  }
0xcb: {  	[sflag:s0] =	ssyncadd.remote.s32 $0x1  }
0xcc: {  	_ =	sfence.sel $0xFFFF  }
0xcd: {  	[dreg:$0x0] =	wrdreg $0xFFFFFFFF;
	(pc) =	sbr.abs _section_cstart, $3  }
0xce: {  	[dreg:$0x1] =	wrdreg $0xFFFFFFFF  }
0xcf: {  	_ =	task.clear_ibuf [dreg:s22], $0x2FFFF;
	_ =	strace $0x9FFFFFFF  }
0xd0: {  	(tm) =	ssettm $0x7FFFFFFF  }
0xd1: {  	_ =	shalt  }
tec
execute0_lowered:
.L_overlay_start_1:
0x0: {  	(tag) =	ssettag $0x1  }
0x1: {  	s1 =	srdreg.scid;
	s0 =	stileid.u32  }
0x2: {  	s4 =	rddreg [dreg:$0x0];
	s2 =	simm.s32 $0x0;
	s12 =	simm.s32 $0x5200  }
0x3: {  	s13 =	simm.s32 $0x100;
	s14 =	simm.s32 $0x9200;
	s15 =	simm.s32 $0x1  }
0x4: {  	s16 =	simm.s32 $0x180;
	s17 =	simm.s32 $0xD200;
	s18 =	simm.s32 $0x200  }
0x5: {  	s19 =	simm.s32 $0x11200;
	s20 =	simm.s32 $0x280;
	s21 =	simm.s32 $0x15200  }
0x6: {  	s22 =	simm.s32 $0x2;
	s23 =	simm.s32 $0x3;
	s24 =	simm.s32 $0x0  }
0x7: {  	s5 =	sand.u32 $0x1, s1;
	s3 =	sshll.u32 s0, $0x1;
	s1 =	rddreg [dreg:$0x1]  }
0x8: {  	[smem:$0x7FF] =	sst s2;
	s9 =	smul.u32 $0x24000, s0;
	s10 =	sadd.s32 $0x7A7800, s4  }
0x9: {  	s6 =	sor.u32 s5, s3;
	_ =	strace $0x8000004A;
	s11 =	smul.u32 $0x12000, s5  }
0xa: {  	s3 =	sadd.s32 $0x620E00, s4;
	s8 =	ssub.s32 $0x2, s5;
	s7 =	smul.u32 $0x1200, s6  }
0xb: {  	s6 =	smul.u32 $0x12000, s6;
	s28 =	sshrl.u32 s8, $0x1;
	s30 =	sadd.s32 s9, s10  }
0xc: {  	s9 =	simm.s32 $0x4;
	s29 =	ssub.s32 s8, s28;
	s31 =	sadd.s32 s11, s30  }
0xd: {  	s11 =	simm.s32 $0x1200;
	s7 =	sshrl.u32 s7, $0x3;
	s5 =	smax.u32 s29, $0x1  }
0xe: {  	s6 =	sadd.s32 s10, s6;
	s8 =	sadd.s32 $0x4800, s31;
	s7 =	sadd.s32 s7, s4  }
0xf: {  	s10 =	simm.s32 $0x80;
	s4 =	sadd.s32 $0x26200, s7;
	s7 =	sadd.s32 $0x1800, s6  }
.LBB2_1:
0x10: {  	[tilespmem:s2], [sflag:$0x4] =	stream.linear.gather [hbm4b:s4+s2], $0x1200, $0x38;
	[tilespmem:$0x19200] =	vst v63  }
0x11: {  	_ =	swait.ge [sflag:s9], $0x1200  }
0x12: {  	[sflag:s9] =	ssyncset.done $0x0  }
0x13: {  	[sflag:s9] =	ssyncadd.s32 $0xFFFFEE00  }
0x14: {  	[tilespmem:s11], [sflag:$0x1] =	stream.indirect.gather [hbm4b:s3+s10], $0x80, s2, s10, $0xb8;
	[tilespmem:$0x19200] =	vst v63  }
0x15: {  	_ = 	snop  }
0x16: {  	[tilespmem:s12], [sflag:$0x1] =	stream.indirect.gather [hbm4b:s3+s10], $0x80, s10, s10, $0xb8;
	[tilespmem:$0x19200] =	vst v63  }
0x17: {  	_ = 	snop  }
0x18: {  	[tilespmem:s14], [sflag:$0x1] =	stream.indirect.gather [hbm4b:s3+s10], $0x80, s13, s10, $0xb8;
	[tilespmem:$0x19200] =	vst v63  }
0x19: {  	_ =	swait.ge [sflag:s15], $0x4000  }
0x1a: {  	[sflag:s15] =	ssyncset.done $0x0  }
0x1b: {  	[sflag:s15] =	ssyncadd.s32 $0xFFFFC000  }
0x1c: {  	_ =	swait.ge [sflag:s15], $0x4000  }
0x1d: {  	[sflag:s15] =	ssyncset.done $0x0  }
0x1e: {  	[sflag:s15] =	ssyncadd.s32 $0xFFFFC000  }
0x1f: {  	_ =	swait.ge [sflag:s15], $0x4000  }
0x20: {  	[sflag:s15] =	ssyncset.done $0x0  }
0x21: {  	[sflag:s15] =	ssyncadd.s32 $0xFFFFC000  }
0x22: {  	[hbm4b:s6+s2] =	stream.linear.scatter [tilespmem:s11], [sflag:$0x2], $0xC000, $0x38;
	[tilespmem:$0x19200] =	vst v63  }
0x23: {  	_ = 	snop  }
0x24: {  	[tilespmem:s17], [sflag:$0x1] =	stream.indirect.gather [hbm4b:s3+s10], $0x80, s16, s10, $0xb8;
	[tilespmem:$0x19200] =	vst v63  }
0x25: {  	_ = 	snop  }
0x26: {  	[tilespmem:s19], [sflag:$0x1] =	stream.indirect.gather [hbm4b:s3+s10], $0x80, s18, s10, $0xb8;
	[tilespmem:$0x19200] =	vst v63  }
0x27: {  	_ = 	snop  }
0x28: {  	[tilespmem:s21], [sflag:$0x1] =	stream.indirect.gather [hbm4b:s3+s10], $0x80, s20, s10, $0xb8;
	[tilespmem:$0x19200] =	vst v63  }
0x29: {  	_ =	swait.ge [sflag:s15], $0x4000  }
0x2a: {  	[sflag:s15] =	ssyncset.done $0x0  }
0x2b: {  	[sflag:s15] =	ssyncadd.s32 $0xFFFFC000  }
0x2c: {  	_ =	swait.ge [sflag:s15], $0x4000  }
0x2d: {  	[sflag:s15] =	ssyncset.done $0x0  }
0x2e: {  	[sflag:s15] =	ssyncadd.s32 $0xFFFFC000  }
0x2f: {  	_ =	swait.ge [sflag:s15], $0x4000  }
0x30: {  	[sflag:s15] =	ssyncset.done $0x0  }
0x31: {  	[sflag:s15] =	ssyncadd.s32 $0xFFFFC000  }
0x32: {  	[hbm4b:s7+s2] =	stream.linear.scatter [tilespmem:s17], [sflag:$0x3], $0xC000, $0x38;
	[tilespmem:$0x19200] =	vst v63  }
0x33: {  	_ =	swait.ge [sflag:s22], $0xC000  }
0x34: {  	[sflag:s22] =	ssyncset.done $0x0  }
0x35: {  	s25 =	simm.s32 $0x300;
	[sflag:s22] =	ssyncadd.s32 $0xFFFF4000  }
0x36: {  	[tilespmem:s11], [sflag:$0x1] =	stream.indirect.gather [hbm4b:s3+s10], $0x80, s25, s10, $0xb8;
	[tilespmem:$0x19200] =	vst v63  }
0x37: {  	s30 =	simm.s32 $0x380  }
0x38: {  	[tilespmem:s12], [sflag:$0x1] =	stream.indirect.gather [hbm4b:s3+s10], $0x80, s30, s10, $0xb8;
	[tilespmem:$0x19200] =	vst v63  }
0x39: {  	s31 =	simm.s32 $0x400  }
0x3a: {  	[tilespmem:s14], [sflag:$0x1] =	stream.indirect.gather [hbm4b:s3+s10], $0x80, s31, s10, $0xb8;
	[tilespmem:$0x19200] =	vst v63  }
0x3b: {  	_ =	swait.ge [sflag:s15], $0x4000  }
0x3c: {  	[sflag:s15] =	ssyncset.done $0x0  }
0x3d: {  	[sflag:s15] =	ssyncadd.s32 $0xFFFFC000  }
0x3e: {  	_ =	swait.ge [sflag:s15], $0x4000  }
0x3f: {  	[sflag:s15] =	ssyncset.done $0x0  }
0x40: {  	[sflag:s15] =	ssyncadd.s32 $0xFFFFC000  }
0x41: {  	_ =	swait.ge [sflag:s15], $0x4000  }
0x42: {  	[sflag:s15] =	ssyncset.done $0x0  }
0x43: {  	[sflag:s15] =	ssyncadd.s32 $0xFFFFC000  }
0x44: {  	_ =	swait.ge [sflag:s23], $0xC000  }
0x45: {  	[sflag:s23] =	ssyncset.done $0x0  }
0x46: {  	s26 =	sadd.s32 $0xFFFFE800, s8;
	[sflag:s23] =	ssyncadd.s32 $0xFFFF4000  }
0x47: {  	[hbm4b:s26+s2] =	stream.linear.scatter [tilespmem:s11], [sflag:$0x2], $0xC000, $0x38;
	[tilespmem:$0x19200] =	vst v63  }
0x48: {  	s29 =	simm.s32 $0x480  }
0x49: {  	[tilespmem:s17], [sflag:$0x1] =	stream.indirect.gather [hbm4b:s3+s10], $0x80, s29, s10, $0xb8;
	[tilespmem:$0x19200] =	vst v63  }
0x4a: {  	s30 =	simm.s32 $0x500  }
0x4b: {  	[tilespmem:s19], [sflag:$0x1] =	stream.indirect.gather [hbm4b:s3+s10], $0x80, s30, s10, $0xb8;
	[tilespmem:$0x19200] =	vst v63  }
0x4c: {  	s31 =	simm.s32 $0x580  }
0x4d: {  	[tilespmem:s21], [sflag:$0x1] =	stream.indirect.gather [hbm4b:s3+s10], $0x80, s31, s10, $0xb8;
	[tilespmem:$0x19200] =	vst v63  }
0x4e: {  	_ =	swait.ge [sflag:s15], $0x4000  }
0x4f: {  	[sflag:s15] =	ssyncset.done $0x0  }
0x50: {  	[sflag:s15] =	ssyncadd.s32 $0xFFFFC000  }
0x51: {  	_ =	swait.ge [sflag:s15], $0x4000  }
0x52: {  	[sflag:s15] =	ssyncset.done $0x0  }
0x53: {  	[sflag:s15] =	ssyncadd.s32 $0xFFFFC000  }
0x54: {  	_ =	swait.ge [sflag:s15], $0x4000  }
0x55: {  	s28 =	smov.u32 s8;
	[sflag:s15] =	ssyncset.done $0x0  }
0x56: {  	s25 =	simm.s32 $0xC00;
	s26 =	sadd.s32 $0x3000, s8;
	[sflag:s15] =	ssyncadd.s32 $0xFFFFC000  }
.LBB2_2:
0x57: {  	[hbm4b:s28+s2] =	stream.linear.scatter [tilespmem:s17], [sflag:$0x3], $0xC000, $0x38;
	[tilespmem:$0x19200] =	vst v63  }
0x58: {  	s29 =	smov.u32 s25;
	s28 =	smov.u32 s26  }
0x59: {  	p0 =	sne.s32 s25, $0x3000;
	s25 =	sadd.s32 $0xC00, s25;
	_ =	swait.ge [sflag:s22], $0xC000  }
0x5a: {  	s29 =	sshra.s32 s29, $0x2;
	[sflag:s22] =	ssyncset.done $0x0  }
0x5b: {  	s30 =	sadd.s32 $0x300, s29;
	[sflag:s22] =	ssyncadd.s32 $0xFFFF4000  }
0x5c: {  	[tilespmem:s11], [sflag:$0x1] =	stream.indirect.gather [hbm4b:s3+s10], $0x80, s30, s10, $0xb8;
	[tilespmem:$0x19200] =	vst v63  }
0x5d: {  	s30 =	sadd.s32 $0x380, s29  }
0x5e: {  	[tilespmem:s12], [sflag:$0x1] =	stream.indirect.gather [hbm4b:s3+s10], $0x80, s30, s10, $0xb8;
	[tilespmem:$0x19200] =	vst v63  }
0x5f: {  	s30 =	sadd.s32 $0x400, s29  }
0x60: {  	[tilespmem:s14], [sflag:$0x1] =	stream.indirect.gather [hbm4b:s3+s10], $0x80, s30, s10, $0xb8;
	[tilespmem:$0x19200] =	vst v63  }
0x61: {  	_ =	swait.ge [sflag:s15], $0x4000  }
0x62: {  	[sflag:s15] =	ssyncset.done $0x0  }
0x63: {  	[sflag:s15] =	ssyncadd.s32 $0xFFFFC000  }
0x64: {  	_ =	swait.ge [sflag:s15], $0x4000  }
0x65: {  	[sflag:s15] =	ssyncset.done $0x0  }
0x66: {  	[sflag:s15] =	ssyncadd.s32 $0xFFFFC000  }
0x67: {  	_ =	swait.ge [sflag:s15], $0x4000  }
0x68: {  	[sflag:s15] =	ssyncset.done $0x0  }
0x69: {  	[sflag:s15] =	ssyncadd.s32 $0xFFFFC000  }
0x6a: {  	_ =	swait.ge [sflag:s23], $0xC000  }
0x6b: {  	[sflag:s23] =	ssyncset.done $0x0  }
0x6c: {  	s30 =	sadd.s32 $0xFFFFE800, s26;
	[sflag:s23] =	ssyncadd.s32 $0xFFFF4000  }
0x6d: {  	[hbm4b:s30+s2] =	stream.linear.scatter [tilespmem:s11], [sflag:$0x2], $0xC000, $0x38;
	[tilespmem:$0x19200] =	vst v63  }
0x6e: {  	s30 =	sadd.s32 $0x480, s29  }
0x6f: {  	[tilespmem:s17], [sflag:$0x1] =	stream.indirect.gather [hbm4b:s3+s10], $0x80, s30, s10, $0xb8;
	[tilespmem:$0x19200] =	vst v63  }
0x70: {  	s30 =	sadd.s32 $0x500, s29  }
0x71: {  	[tilespmem:s19], [sflag:$0x1] =	stream.indirect.gather [hbm4b:s3+s10], $0x80, s30, s10, $0xb8;
	[tilespmem:$0x19200] =	vst v63  }
0x72: {  	s29 =	sadd.s32 $0x580, s29  }
0x73: {  	[tilespmem:s21], [sflag:$0x1] =	stream.indirect.gather [hbm4b:s3+s10], $0x80, s29, s10, $0xb8;
	[tilespmem:$0x19200] =	vst v63  }
0x74: {  	_ =	swait.ge [sflag:s15], $0x4000  }
0x75: {  	[sflag:s15] =	ssyncset.done $0x0  }
0x76: {  	[sflag:s15] =	ssyncadd.s32 $0xFFFFC000  }
0x77: {  	_ =	swait.ge [sflag:s15], $0x4000  }
.Ltmp0:
0x78: {  	[sflag:s15] =	ssyncset.done $0x0;
	(pc) =	sbr.rel @p0 .LBB2_2-.Ltmp0, $4  }
0x79: {  	[sflag:s15] =	ssyncadd.s32 $0xFFFFC000  }
0x7a: {  	_ =	swait.ge [sflag:s15], $0x4000  }
0x7b: {  	[sflag:s15] =	ssyncset.done $0x0  }
0x7c: {  	s26 =	sadd.s32 $0x3000, s26;
	[sflag:s15] =	ssyncadd.s32 $0xFFFFC000  }
0x7d: {  	[hbm4b:s28+s2] =	stream.linear.scatter [tilespmem:s17], [sflag:$0x3], $0xC000, $0x38;
	[tilespmem:$0x19200] =	vst v63  }
0x7e: {  	s24 =	sadd.s32 $0x1, s24  }
0x7f: {  	_ =	swait.ge [sflag:s22], $0xC000;
	p0 =	sne.s32 s24, s5  }
.Ltmp1:
0x80: {  	[sflag:s22] =	ssyncset.done $0x0;
	(pc) =	sbr.rel @p0 .LBB2_1-.Ltmp1, $4  }
0x81: {  	[sflag:s22] =	ssyncadd.s32 $0xFFFF4000  }
0x82: {  	_ =	swait.ge [sflag:s23], $0xC000  }
0x83: {  	[sflag:s23] =	ssyncset.done $0x0  }
0x84: {  	[sflag:s23] =	ssyncadd.s32 $0xFFFF4000  }
0x85: {  	_ =	sfence.sel $0x180000  }
0x86: {  	[bflag:$0x0] =	sbarrier.arrive $0xFFFF  }
0x87: {  	p0 =	sne.s32 s0, $0x0;
	_ =	strace $0x9000004A  }
0x88: {  	s0 =	sadd.s32 @!p0 $0x100000, s1;
	[bflag:$0x2] =	sbarrier.arrive $0xFFFF  }
0x89: {  	[sflag:s0] =	ssyncadd.tile.s32 @!p0 $0x1;
	_ =	shalt  }
.Lfunc_end2:
_tile_overlayer_lowered:
.L_overlay_start_2:
0x8a: {  	(tag) =	ssettag $0x2  }
0x8b: {  	s0 =	rddreg [dreg:$0x0];
	s2 =	stileid.u32  }
0x8c: {  	s1 =	rddreg [dreg:$0x1];
	p0 =	sne.s32 s2, $0x0  }
0x8d: {  	s3 =	rddreg [dreg:$0x2];
	[bflag:$0x3] =	sbarrier.arrive $0xFFFF;
	s2 =	simm.s32 @!p0 $0x1C04  }
0x8e: {  	[timem:s3], [sflag:s2] =	dma.local @!p0 [hbm:s0], s1  }
0x8f: {  	s0 =	simm.s32 @!p0 $0x4  }
0x90: {  	_ =	swait.ge @!p0 [sflag:s0], s1  }
0x91: {  	s1 =	ssub.s32 @!p0 $0x0, s1;
	[sflag:s0] =	ssyncset.done @!p0 $0x0  }
0x92: {  	[sflag:s0] =	ssyncadd.s32 @!p0 s1  }
0x93: {  	[bflag:$0x3] =	sbarrier.arrive $0xFFFF  }
0x94: {  	_ =	shalt  }

</sc_bundles>
